<compile_context>
chip_gen: v7x
topology: tpu7x:2x2x1
jax: 0.10.2.dev20260603
libtpu: 0.0.44.dev20260713+nightly
codegen_flags: <defaults>
</compile_context>

<pallas_src>
import functools
import jax
import jax.numpy as jnp
from jax import lax
from jax.experimental import pallas as pl
from jax.experimental.pallas import tpu as pltpu
from jax.experimental.pallas import tpu_sc as plsc

N = 50000
NPAD = 50048
E = 800000
DIN = 1433
H = 16
C = 7
G = 64
NC = 2
NS = 16
NW = NC * NS
CH = 128
NCHUNK = 200
EW = CH * NCHUNK
EPAD = EW * NW
BM = 2048
NBLK = -(-N // BM)
RPT = NPAD // NS
ZCH = 136
NZB = RPT // ZCH

_sc_mesh = plsc.VectorSubcoreMesh(core_axis_name="c", subcore_axis_name="s")


@functools.partial(
    pl.kernel,
    out_type=jax.ShapeDtypeStruct((NC * NPAD,), jnp.float32),
    mesh=_sc_mesh,
    scratch_types=[
        pltpu.VMEM((NCHUNK, CH), jnp.int32),
        pltpu.VMEM((CH,), jnp.float32),
        pltpu.VMEM((RPT,), jnp.float32),
        pltpu.VMEM_SHARED((NPAD,), jnp.float32),
    ],
    compiler_params=pltpu.CompilerParams(use_tc_tiling_on_sc=False),
)
def _sc_deg(dst_hbm, zeros_hbm, ones_hbm, out_hbm, dst_v, ones_v, stage_v,
            acc_sh):
    c = lax.axis_index("c")
    s = lax.axis_index("s")
    w = c * NS + s
    r0 = s * RPT
    pltpu.sync_copy(zeros_hbm.at[pl.ds(r0, RPT)], stage_v)
    pltpu.sync_copy(stage_v, acc_sh.at[pl.ds(r0, RPT)])
    pltpu.sync_copy(ones_hbm, ones_v)
    pltpu.sync_copy(dst_hbm.at[pl.ds(w * NCHUNK, NCHUNK)], dst_v)
    plsc.subcore_barrier()

    def body(j, carry):
        pltpu.sync_copy(ones_v, acc_sh.at[dst_v.at[j]], add=True)
        return carry

    lax.fori_loop(0, NCHUNK, body, 0)
    plsc.subcore_barrier()
    pltpu.sync_copy(acc_sh.at[pl.ds(r0, RPT)], stage_v)
    pltpu.sync_copy(stage_v, out_hbm.at[pl.ds(c * NPAD + r0, RPT)])


def _make_agg(F):
    def body_fn(y_hbm, src_hbm, dst_hbm, zeros_hbm, out0_hbm, out1_hbm,
                src_v, dst_v, rows_v, rows2_v, zbuf_v, acc_sh,
                gsem, gsem2, ssem, ssem2):
        c = lax.axis_index("c")
        s = lax.axis_index("s")
        w = c * NS + s
        r0 = s * RPT
        pltpu.sync_copy(zeros_hbm.at[pl.ds(0, ZCH)], zbuf_v)

        def zbody(k, carry):
            pltpu.sync_copy(zbuf_v, acc_sh.at[pl.ds(r0 + k * ZCH, ZCH)])
            return carry

        lax.fori_loop(0, NZB, zbody, 0)
        pltpu.sync_copy(src_hbm.at[pl.ds(w * NCHUNK, NCHUNK)], src_v)
        pltpu.sync_copy(dst_hbm.at[pl.ds(w * NCHUNK, NCHUNK)], dst_v)
        plsc.subcore_barrier()

        pltpu.async_copy(y_hbm.at[src_v.at[0]], rows_v, gsem)
        pltpu.async_copy(y_hbm.at[src_v.at[1]], rows2_v, gsem2)

        def body(i, carry):
            j0 = 2 * i
            pltpu.make_async_copy(y_hbm.at[src_v.at[j0]], rows_v, gsem).wait()
            pltpu.async_copy(rows_v, acc_sh.at[dst_v.at[j0]], ssem, add=True)
            pltpu.make_async_copy(y_hbm.at[src_v.at[j0 + 1]], rows2_v, gsem2).wait()
            pltpu.async_copy(rows2_v, acc_sh.at[dst_v.at[j0 + 1]], ssem2, add=True)

            pltpu.make_async_copy(rows_v, acc_sh.at[dst_v.at[j0]], ssem).wait()

            @pl.when(i + 1 < NCHUNK // 2)
            def _():
                pltpu.async_copy(y_hbm.at[src_v.at[j0 + 2]], rows_v, gsem)

            pltpu.make_async_copy(rows2_v, acc_sh.at[dst_v.at[j0 + 1]], ssem2).wait()

            @pl.when(i + 1 < NCHUNK // 2)
            def _():
                pltpu.async_copy(y_hbm.at[src_v.at[j0 + 3]], rows2_v, gsem2)

            return carry

        lax.fori_loop(0, NCHUNK // 2, body, 0)
        plsc.subcore_barrier()

        @pl.when(c == 0)
        def _():
            def wbody(k, carry):
                pltpu.sync_copy(acc_sh.at[pl.ds(r0 + k * ZCH, ZCH)], zbuf_v)
                pltpu.sync_copy(zbuf_v, out0_hbm.at[pl.ds(r0 + k * ZCH, ZCH)])
                return carry

            lax.fori_loop(0, NZB, wbody, 0)

        @pl.when(c == 1)
        def _():
            def wbody(k, carry):
                pltpu.sync_copy(acc_sh.at[pl.ds(r0 + k * ZCH, ZCH)], zbuf_v)
                pltpu.sync_copy(zbuf_v, out1_hbm.at[pl.ds(r0 + k * ZCH, ZCH)])
                return carry

            lax.fori_loop(0, NZB, wbody, 0)

    return pl.kernel(
        body_fn,
        out_type=(jax.ShapeDtypeStruct((NPAD, F), jnp.float32),
                  jax.ShapeDtypeStruct((NPAD, F), jnp.float32)),
        mesh=_sc_mesh,
        scratch_types=[
            pltpu.VMEM((NCHUNK, CH), jnp.int32),
            pltpu.VMEM((NCHUNK, CH), jnp.int32),
            pltpu.VMEM((CH, F), jnp.float32),
            pltpu.VMEM((CH, F), jnp.float32),
            pltpu.VMEM((ZCH, F), jnp.float32),
            pltpu.VMEM_SHARED((NPAD, F), jnp.float32),
            pltpu.SemaphoreType.DMA,
            pltpu.SemaphoreType.DMA,
            pltpu.SemaphoreType.DMA,
            pltpu.SemaphoreType.DMA,
        ],
        compiler_params=pltpu.CompilerParams(use_tc_tiling_on_sc=False),
    )


_sc_agg16 = _make_agg(H)
_sc_agg8 = _make_agg(8)


def _dis_of(deg_block):
    return lax.rsqrt(deg_block[:, 0] + deg_block[:, 1] + 1.0)


def _mm_body(xt_ref, w_ref, deg_ref, y_ref):
    dis = _dis_of(deg_ref[...])
    xw = lax.dot_general(xt_ref[...], w_ref[...], (((0,), (0,)), ((), ())),
                         preferred_element_type=jnp.float32)
    y_ref[...] = xw * dis[:, None]


def _mid_body(s1a_ref, s1b_ref, y1_ref, deg_ref, b1_ref, w2_ref, y2_ref):
    dis = _dis_of(deg_ref[...])
    pre = dis[:, None] * (s1a_ref[...] + s1b_ref[...] + y1_ref[...]) + b1_ref[...]
    h1 = jnp.maximum(pre, 0.0)
    z2 = jnp.dot(h1, w2_ref[...], preferred_element_type=jnp.float32)
    y2_ref[...] = z2 * dis[:, None]


def _fin_body(s2a_ref, s2b_ref, y2_ref, deg_ref, b2_ref, batch_ref,
              ls_ref, ht_ref):
    i = pl.program_id(0)
    dis = _dis_of(deg_ref[...])
    x2 = dis[:, None] * (s2a_ref[...] + s2b_ref[...] + y2_ref[...]) + b2_ref[...]
    neg = jnp.float32(-jnp.inf)
    col = lax.broadcasted_iota(jnp.int32, (BM, 8), 1)
    valid = col < C
    x2m = jnp.where(valid, x2, neg)
    m = jnp.max(x2m, axis=1, keepdims=True)
    ex = jnp.where(valid, jnp.exp(x2 - m), 0.0)
    lse = jnp.log(jnp.sum(ex, axis=1, keepdims=True)) + m
    ls_ref[...] = lax.slice(x2 - lse, (0, 0), (BM, C))

    b = batch_ref[...]
    gid = lax.broadcasted_iota(jnp.int32, (BM, G), 1)
    row = lax.broadcasted_iota(jnp.int32, (BM, G), 0)
    mask = (b == gid) & (row + i * BM < N)

    @pl.when(i == 0)
    def _():
        ht_ref[...] = jnp.full((C, G), neg, jnp.float32)

    rows = []
    for cc in range(C):
        xc = lax.slice(x2, (0, cc), (BM, cc + 1))
        rows.append(jnp.max(jnp.where(mask, xc, neg), axis=0, keepdims=True))
    ht_ref[...] = jnp.maximum(ht_ref[...], jnp.concatenate(rows, axis=0))


_row_spec = pl.BlockSpec((BM, H), lambda i: (i, 0))
_deg_spec = pl.BlockSpec((BM, 2), lambda i: (i, 0))

_tc_mm = pl.pallas_call(
    _mm_body,
    grid=(NBLK,),
    in_specs=[
        pl.BlockSpec((DIN, BM), lambda i: (0, i)),
        pl.BlockSpec((DIN, H), lambda i: (0, 0)),
        _deg_spec,
    ],
    out_specs=_row_spec,
    out_shape=jax.ShapeDtypeStruct((N, H), jnp.float32),
)

_row8_spec = pl.BlockSpec((BM, 8), lambda i: (i, 0))

_tc_mid = pl.pallas_call(
    _mid_body,
    grid=(NBLK,),
    in_specs=[
        _row_spec, _row_spec, _row_spec, _deg_spec,
        pl.BlockSpec((1, H), lambda i: (0, 0)),
        pl.BlockSpec((H, 8), lambda i: (0, 0)),
    ],
    out_specs=_row8_spec,
    out_shape=jax.ShapeDtypeStruct((N, 8), jnp.float32),
)

_tc_fin = pl.pallas_call(
    _fin_body,
    grid=(NBLK,),
    in_specs=[
        _row8_spec, _row8_spec, _row8_spec, _deg_spec,
        pl.BlockSpec((1, 8), lambda i: (0, 0)),
        pl.BlockSpec((BM, 1), lambda i: (i, 0)),
    ],
    out_specs=(
        pl.BlockSpec((BM, C), lambda i: (i, 0)),
        pl.BlockSpec((C, G), lambda i: (0, 0)),
    ),
    out_shape=(
        jax.ShapeDtypeStruct((N, C), jnp.float32),
        jax.ShapeDtypeStruct((C, G), jnp.float32),
    ),
)


def kernel(x, edge_index, batch, W1, b1, W2, b2):
    ei = edge_index.astype(jnp.int32)
    npad = EPAD - E
    ar = jnp.arange(npad, dtype=jnp.int32)
    pad_src = (ar * 97) % N
    pad_dst = N + (ar % (NPAD - N))
    srcp = jnp.concatenate([ei[0], pad_src]).reshape(NW * NCHUNK, CH)
    dstp = jnp.concatenate([ei[1], pad_dst]).reshape(NW * NCHUNK, CH)

    zeros16 = jnp.zeros((NPAD, H), jnp.float32)
    zeros8 = jnp.zeros((NPAD, 8), jnp.float32)
    zeros1 = jnp.zeros((NPAD,), jnp.float32)
    ones = jnp.ones((CH,), jnp.float32)

    deg2 = _sc_deg(dstp, zeros1, ones)
    degT = deg2.reshape(NC, NPAD).T

    y1 = _tc_mm(x.T, W1, degT)
    s1a, s1b = _sc_agg16(y1, srcp, dstp, zeros16)

    W2p = jnp.zeros((H, 8), jnp.float32).at[:, :C].set(W2)
    b1r = b1.reshape(1, H)
    y2 = _tc_mid(s1a, s1b, y1, degT, b1r, W2p)

    s2a, s2b = _sc_agg8(y2, srcp, dstp, zeros8)
    b2p = jnp.pad(b2, (0, 8 - C)).reshape(1, 8)
    batch2 = batch.astype(jnp.int32).reshape(N, 1)
    ls, ht = _tc_fin(s2a, s2b, y2, degT, b2p, batch2)
    return (ht.T, ls)

# --- scband reference (transcript-rebuilt; emitter-appended) ---
"""Pipeline reference for scband-gcn-85332410237296 (READ-ONLY COPY).

The authoritative reference and input builder live on the scoring server;
editing this copy changes nothing except your own understanding.
"""

import jax, jax.numpy as jnp
import numpy as np

N = 50000
E = 800000
D_IN = 1433
H = 16
C = 7
G = 64


def gcn_conv(x, edge_index, W, b):
    # PyG GCNConv: x' = D^{-1/2} (A + I) D^{-1/2} (X W) + b
    n = x.shape[0]
    xw = x @ W
    loops = jnp.arange(n, dtype=edge_index.dtype)
    src = jnp.concatenate([edge_index[0], loops])
    dst = jnp.concatenate([edge_index[1], loops])
    deg = jnp.zeros((n,), xw.dtype).at[dst].add(1.0)
    dis = jnp.where(deg > 0, deg ** -0.5, 0.0)
    norm = dis[src] * dis[dst]
    msgs = jnp.take(xw, src, axis=0) * norm[:, None]
    out = jnp.zeros((n, xw.shape[1]), xw.dtype).at[dst].add(msgs)
    return out + b


def setup_inputs(seed: int = 0) -> dict:
    key = jax.random.key(seed)
    k1, k2, k3, k4, k5 = jax.random.split(key, 5)
    x = jax.random.normal(k1, (N, D_IN), dtype=jnp.float32)
    edge_index = jax.random.randint(k2, (2, E), 0, N)
    batch = jnp.sort(jax.random.randint(k3, (N,), 0, G))
    W1 = jax.random.normal(k4, (D_IN, H), dtype=jnp.float32) * 0.05
    b1 = jnp.zeros((H,), dtype=jnp.float32)
    W2 = jax.random.normal(k5, (H, C), dtype=jnp.float32) * 0.05
    b2 = jnp.zeros((C,), dtype=jnp.float32)
    return {"x": x, "edge_index": edge_index, "batch": batch, "W1": W1, "b1": b1, "W2": W2, "b2": b2}


def reference(x, edge_index, batch, W1, b1, W2, b2):
    h1 = jax.nn.relu(gcn_conv(x, edge_index, W1, b1))
    # F.dropout in eval mode is identity (deterministic reference)
    x2 = gcn_conv(h1, edge_index, W2, b2)
    h = jax.ops.segment_max(x2, batch, num_segments=G)
    return (h, jax.nn.log_softmax(x2, axis=1))

if __name__ == "__main__":
    import jax
    _d = setup_inputs()
    print(jax.jit(kernel)(*tuple(_d.values())))

</pallas_src>

<mosaic_0001>
#map = affine_map<(d0, d1) -> (0, 0)>
module attributes {stable_mosaic.version = 14 : i64} {
  func.func @body_fn(%arg0: i32, %arg1: i32, %arg2: memref<50000x8xf32, #tpu.memory_space<hbm>>, %arg3: memref<6400x128xi32, #tpu.memory_space<hbm>>, %arg4: memref<6400x128xi32, #tpu.memory_space<hbm>>, %arg5: memref<50048x8xf32, #tpu.memory_space<hbm>>, %arg6: memref<50048x8xf32, #tpu.memory_space<hbm>>, %arg7: memref<50048x8xf32, #tpu.memory_space<hbm>>, %arg8: memref<200x128xi32, #tpu.memory_space<vmem>>, %arg9: memref<200x128xi32, #tpu.memory_space<vmem>>, %arg10: memref<128x8xf32, #tpu.memory_space<vmem>>, %arg11: memref<128x8xf32, #tpu.memory_space<vmem>>, %arg12: memref<136x8xf32, #tpu.memory_space<vmem>>, %arg13: memref<50048x8xf32, #tpu.memory_space<vmem_shared>>, %arg14: memref<!tpu.dma_semaphore, #tpu.memory_space<semaphore_mem>>, %arg15: memref<!tpu.dma_semaphore, #tpu.memory_space<semaphore_mem>>, %arg16: memref<!tpu.dma_semaphore, #tpu.memory_space<semaphore_mem>>, %arg17: memref<!tpu.dma_semaphore, #tpu.memory_space<semaphore_mem>>) attributes {dimension_semantics = [#tpu.dimension_semantics<core_parallel>, #tpu.dimension_semantics<subcore_parallel>], iteration_bounds = array<i64: 2, 16>, scalar_prefetch = 0 : i64, scratch_operands = 10 : i64, tpu.core_type = #tpu.core_type<sc_vector_subcore>, window_params = [{transform_indices = #map}, {transform_indices = #map}, {transform_indices = #map}, {transform_indices = #map}, {transform_indices = #map}, {transform_indices = #map}]} {
    %mul3A = arith.constant 16 : i32
    %mul3A_0 = arith.muli %arg0, %mul3A : i32
    %add3A = arith.addi %mul3A_0, %arg1 : i32
    %mul3A_1 = arith.constant 3128 : i32
    %mul3A_2 = arith.muli %arg1, %mul3A_1 : i32
    "tpu.region"() ({
      %run_scoped3A = tpu.sem_alloc : memref<!tpu.dma_semaphore, #tpu.memory_space<semaphore_mem>>
      %dma_start3A_39 = arith.constant 0 : i32
      %dma_start3A_40 = arith.constant 0 : i32
      %dma_start3A_41 = tpu.memref_slice %arg5[%dma_start3A_39, %dma_start3A_40] : memref<50048x8xf32, #tpu.memory_space<hbm>> -> memref<136x8xf32, #tpu.memory_space<hbm>>
      %dma_start3A_42 = arith.constant 0 : i32
      %dma_start3A_43 = arith.constant 0 : i32
      %dma_start3A_44 = tpu.memref_slice %arg5[%dma_start3A_42, %dma_start3A_43] : memref<50048x8xf32, #tpu.memory_space<hbm>> -> memref<136x8xf32, #tpu.memory_space<hbm>>
      tpu.enqueue_dma source(%dma_start3A_44 : memref<136x8xf32, #tpu.memory_space<hbm>>) target(%arg12 : memref<136x8xf32, #tpu.memory_space<vmem>>) target_semaphore(%run_scoped3A : memref<!tpu.dma_semaphore, #tpu.memory_space<semaphore_mem>>)
      %dma_wait3A = arith.constant 0 : i32
      %dma_wait3A_45 = arith.constant 0 : i32
      %dma_wait3A_46 = tpu.memref_slice %arg5[%dma_wait3A, %dma_wait3A_45] : memref<50048x8xf32, #tpu.memory_space<hbm>> -> memref<136x8xf32, #tpu.memory_space<hbm>>
      %dma_wait3A_47 = arith.constant 0 : i32
      %dma_wait3A_48 = arith.constant 0 : i32
      %dma_wait3A_49 = tpu.memref_slice %arg5[%dma_wait3A_47, %dma_wait3A_48] : memref<50048x8xf32, #tpu.memory_space<hbm>> -> memref<136x8xf32, #tpu.memory_space<hbm>>
      tpu.wait_dma2 semaphore(%run_scoped3A : memref<!tpu.dma_semaphore, #tpu.memory_space<semaphore_mem>>) src(%dma_wait3A_49 : memref<136x8xf32, #tpu.memory_space<hbm>>) dst(%arg12 : memref<136x8xf32, #tpu.memory_space<vmem>>)
      tpu.yield
    }) : () -> ()
    %scan3A = arith.constant 0 : i32
    %scan3A_3 = arith.constant 0 : i32
    %scan3A_4 = arith.constant 23 : i32
    %scan3A_5 = arith.addi %scan3A_3, %scan3A_4 : i32
    %scan3A_6 = arith.constant 1 : i32
    scf.for %scan3A_39 = %scan3A_3 to %scan3A_5 step %scan3A_6  : i32 {
      %mul3A_40 = arith.constant 136 : i32
      %mul3A_41 = arith.muli %scan3A_39, %mul3A_40 : i32
      %add3A_42 = arith.addi %mul3A_2, %mul3A_41 : i32
      "tpu.region"() ({
        %run_scoped3A = tpu.sem_alloc : memref<!tpu.dma_semaphore, #tpu.memory_space<semaphore_mem>>
        %dma_start3A_43 = arith.constant 0 : i32
        %dma_start3A_44 = tpu.memref_slice %arg13[%add3A_42, %dma_start3A_43] : memref<50048x8xf32, #tpu.memory_space<vmem_shared>> -> memref<136x8xf32, #tpu.memory_space<vmem_shared>>
        %dma_start3A_45 = arith.constant 0 : i32
        %dma_start3A_46 = tpu.memref_slice %arg13[%add3A_42, %dma_start3A_45] : memref<50048x8xf32, #tpu.memory_space<vmem_shared>> -> memref<136x8xf32, #tpu.memory_space<vmem_shared>>
        tpu.enqueue_dma source(%arg12 : memref<136x8xf32, #tpu.memory_space<vmem>>) target(%dma_start3A_46 : memref<136x8xf32, #tpu.memory_space<vmem_shared>>) target_semaphore(%run_scoped3A : memref<!tpu.dma_semaphore, #tpu.memory_space<semaphore_mem>>)
        %dma_wait3A = arith.constant 0 : i32
        %dma_wait3A_47 = tpu.memref_slice %arg13[%add3A_42, %dma_wait3A] : memref<50048x8xf32, #tpu.memory_space<vmem_shared>> -> memref<136x8xf32, #tpu.memory_space<vmem_shared>>
        %dma_wait3A_48 = arith.constant 0 : i32
        %dma_wait3A_49 = tpu.memref_slice %arg13[%add3A_42, %dma_wait3A_48] : memref<50048x8xf32, #tpu.memory_space<vmem_shared>> -> memref<136x8xf32, #tpu.memory_space<vmem_shared>>
        tpu.wait_dma2 semaphore(%run_scoped3A : memref<!tpu.dma_semaphore, #tpu.memory_space<semaphore_mem>>) src(%arg12 : memref<136x8xf32, #tpu.memory_space<vmem>>) dst(%dma_wait3A_49 : memref<136x8xf32, #tpu.memory_space<vmem_shared>>)
        tpu.yield
      }) : () -> ()
    }
    %scan3A_7 = arith.constant 23 : i32
    %mul3A_8 = arith.constant 200 : i32
    %mul3A_9 = arith.muli %add3A, %mul3A_8 : i32
    "tpu.region"() ({
      %run_scoped3A = tpu.sem_alloc : memref<!tpu.dma_semaphore, #tpu.memory_space<semaphore_mem>>
      %dma_start3A_39 = arith.constant 0 : i32
      %dma_start3A_40 = tpu.memref_slice %arg3[%mul3A_9, %dma_start3A_39] : memref<6400x128xi32, #tpu.memory_space<hbm>> -> memref<200x128xi32, #tpu.memory_space<hbm>>
      %dma_start3A_41 = arith.constant 0 : i32
      %dma_start3A_42 = tpu.memref_slice %arg3[%mul3A_9, %dma_start3A_41] : memref<6400x128xi32, #tpu.memory_space<hbm>> -> memref<200x128xi32, #tpu.memory_space<hbm>>
      tpu.enqueue_dma source(%dma_start3A_42 : memref<200x128xi32, #tpu.memory_space<hbm>>) target(%arg8 : memref<200x128xi32, #tpu.memory_space<vmem>>) target_semaphore(%run_scoped3A : memref<!tpu.dma_semaphore, #tpu.memory_space<semaphore_mem>>)
      %dma_wait3A = arith.constant 0 : i32
      %dma_wait3A_43 = tpu.memref_slice %arg3[%mul3A_9, %dma_wait3A] : memref<6400x128xi32, #tpu.memory_space<hbm>> -> memref<200x128xi32, #tpu.memory_space<hbm>>
      %dma_wait3A_44 = arith.constant 0 : i32
      %dma_wait3A_45 = tpu.memref_slice %arg3[%mul3A_9, %dma_wait3A_44] : memref<6400x128xi32, #tpu.memory_space<hbm>> -> memref<200x128xi32, #tpu.memory_space<hbm>>
      tpu.wait_dma2 semaphore(%run_scoped3A : memref<!tpu.dma_semaphore, #tpu.memory_space<semaphore_mem>>) src(%dma_wait3A_45 : memref<200x128xi32, #tpu.memory_space<hbm>>) dst(%arg8 : memref<200x128xi32, #tpu.memory_space<vmem>>)
      tpu.yield
    }) : () -> ()
    %mul3A_10 = arith.constant 200 : i32
    %mul3A_11 = arith.muli %add3A, %mul3A_10 : i32
    "tpu.region"() ({
      %run_scoped3A = tpu.sem_alloc : memref<!tpu.dma_semaphore, #tpu.memory_space<semaphore_mem>>
      %dma_start3A_39 = arith.constant 0 : i32
      %dma_start3A_40 = tpu.memref_slice %arg4[%mul3A_11, %dma_start3A_39] : memref<6400x128xi32, #tpu.memory_space<hbm>> -> memref<200x128xi32, #tpu.memory_space<hbm>>
      %dma_start3A_41 = arith.constant 0 : i32
      %dma_start3A_42 = tpu.memref_slice %arg4[%mul3A_11, %dma_start3A_41] : memref<6400x128xi32, #tpu.memory_space<hbm>> -> memref<200x128xi32, #tpu.memory_space<hbm>>
      tpu.enqueue_dma source(%dma_start3A_42 : memref<200x128xi32, #tpu.memory_space<hbm>>) target(%arg9 : memref<200x128xi32, #tpu.memory_space<vmem>>) target_semaphore(%run_scoped3A : memref<!tpu.dma_semaphore, #tpu.memory_space<semaphore_mem>>)
      %dma_wait3A = arith.constant 0 : i32
      %dma_wait3A_43 = tpu.memref_slice %arg4[%mul3A_11, %dma_wait3A] : memref<6400x128xi32, #tpu.memory_space<hbm>> -> memref<200x128xi32, #tpu.memory_space<hbm>>
      %dma_wait3A_44 = arith.constant 0 : i32
      %dma_wait3A_45 = tpu.memref_slice %arg4[%mul3A_11, %dma_wait3A_44] : memref<6400x128xi32, #tpu.memory_space<hbm>> -> memref<200x128xi32, #tpu.memory_space<hbm>>
      tpu.wait_dma2 semaphore(%run_scoped3A : memref<!tpu.dma_semaphore, #tpu.memory_space<semaphore_mem>>) src(%dma_wait3A_45 : memref<200x128xi32, #tpu.memory_space<hbm>>) dst(%arg9 : memref<200x128xi32, #tpu.memory_space<vmem>>)
      tpu.yield
    }) : () -> ()
    %barrier3A = arith.constant 0 : index
    tpu.barrier barrier_id(%barrier3A)
    %dma_start3A = arith.constant 0 : i32
    %dma_start3A_12 = arith.constant 0 : i32
    %dma_start3A_13 = tpu.memref_slice %arg8[%dma_start3A, %dma_start3A_12] : memref<200x128xi32, #tpu.memory_space<vmem>> -> memref<1x128xi32, #tpu.memory_space<vmem>>
    %dma_start3A_14 = tpu.memref_squeeze %dma_start3A_13 : memref<1x128xi32, #tpu.memory_space<vmem>> -> memref<128xi32, #tpu.memory_space<vmem>>
    %dma_start3A_15 = arith.constant 0 : i32
    %dma_start3A_16 = arith.constant 0 : i32
    %dma_start3A_17 = tpu.memref_slice %arg2[%dma_start3A_15, %dma_start3A_16] : memref<50000x8xf32, #tpu.memory_space<hbm>> -> memref<50000x8xf32, #tpu.memory_space<hbm>>
    tpu.enqueue_indirect_dma source(%dma_start3A_17 : memref<50000x8xf32, #tpu.memory_space<hbm>>) target(%arg10 : memref<128x8xf32, #tpu.memory_space<vmem>>) offsets(%dma_start3A_14 : memref<128xi32, #tpu.memory_space<vmem>>) semaphore(%arg14 : memref<!tpu.dma_semaphore, #tpu.memory_space<semaphore_mem>>)
    %dma_start3A_18 = arith.constant 1 : i32
    %dma_start3A_19 = arith.constant 0 : i32
    %dma_start3A_20 = tpu.memref_slice %arg8[%dma_start3A_18, %dma_start3A_19] : memref<200x128xi32, #tpu.memory_space<vmem>> -> memref<1x128xi32, #tpu.memory_space<vmem>>
    %dma_start3A_21 = tpu.memref_squeeze %dma_start3A_20 : memref<1x128xi32, #tpu.memory_space<vmem>> -> memref<128xi32, #tpu.memory_space<vmem>>
    %dma_start3A_22 = arith.constant 0 : i32
    %dma_start3A_23 = arith.constant 0 : i32
    %dma_start3A_24 = tpu.memref_slice %arg2[%dma_start3A_22, %dma_start3A_23] : memref<50000x8xf32, #tpu.memory_space<hbm>> -> memref<50000x8xf32, #tpu.memory_space<hbm>>
    tpu.enqueue_indirect_dma source(%dma_start3A_24 : memref<50000x8xf32, #tpu.memory_space<hbm>>) target(%arg11 : memref<128x8xf32, #tpu.memory_space<vmem>>) offsets(%dma_start3A_21 : memref<128xi32, #tpu.memory_space<vmem>>) semaphore(%arg15 : memref<!tpu.dma_semaphore, #tpu.memory_space<semaphore_mem>>)
    %scan3A_25 = arith.constant 0 : i32
    %scan3A_26 = arith.constant 0 : i32
    %scan3A_27 = arith.constant 100 : i32
    %scan3A_28 = arith.addi %scan3A_26, %scan3A_27 : i32
    %scan3A_29 = arith.constant 1 : i32
    scf.for %scan3A_39 = %scan3A_26 to %scan3A_28 step %scan3A_29  : i32 {
      %mul3A_40 = arith.constant 2 : i32
      %mul3A_41 = arith.muli %mul3A_40, %scan3A_39 : i32
      %dma_wait3A = arith.constant 0 : i32
      %dma_wait3A_42 = tpu.memref_slice %arg8[%mul3A_41, %dma_wait3A] : memref<200x128xi32, #tpu.memory_space<vmem>> -> memref<1x128xi32, #tpu.memory_space<vmem>>
      %dma_wait3A_43 = tpu.memref_squeeze %dma_wait3A_42 : memref<1x128xi32, #tpu.memory_space<vmem>> -> memref<128xi32, #tpu.memory_space<vmem>>
      %dma_wait3A_44 = arith.constant 0 : i32
      %dma_wait3A_45 = arith.constant 0 : i32
      %dma_wait3A_46 = tpu.memref_slice %arg2[%dma_wait3A_44, %dma_wait3A_45] : memref<50000x8xf32, #tpu.memory_space<hbm>> -> memref<50000x8xf32, #tpu.memory_space<hbm>>
      tpu.wait_indirect_dma semaphore(%arg14 : memref<!tpu.dma_semaphore, #tpu.memory_space<semaphore_mem>>) src(%dma_wait3A_46 : memref<50000x8xf32, #tpu.memory_space<hbm>>) dst(%arg10 : memref<128x8xf32, #tpu.memory_space<vmem>>)
      %dma_start3A_47 = arith.constant 0 : i32
      %dma_start3A_48 = tpu.memref_slice %arg9[%mul3A_41, %dma_start3A_47] : memref<200x128xi32, #tpu.memory_space<vmem>> -> memref<1x128xi32, #tpu.memory_space<vmem>>
      %dma_start3A_49 = tpu.memref_squeeze %dma_start3A_48 : memref<1x128xi32, #tpu.memory_space<vmem>> -> memref<128xi32, #tpu.memory_space<vmem>>
      %dma_start3A_50 = arith.constant 0 : i32
      %dma_start3A_51 = arith.constant 0 : i32
      %dma_start3A_52 = tpu.memref_slice %arg13[%dma_start3A_50, %dma_start3A_51] : memref<50048x8xf32, #tpu.memory_space<vmem_shared>> -> memref<50048x8xf32, #tpu.memory_space<vmem_shared>>
      tpu.enqueue_indirect_dma source(%arg10 : memref<128x8xf32, #tpu.memory_space<vmem>>) target(%dma_start3A_52 : memref<50048x8xf32, #tpu.memory_space<vmem_shared>>) offsets(%dma_start3A_49 : memref<128xi32, #tpu.memory_space<vmem>>) semaphore(%arg16 : memref<!tpu.dma_semaphore, #tpu.memory_space<semaphore_mem>>) {add = true}
      %add3A_53 = arith.constant 1 : i32
      %add3A_54 = arith.addi %mul3A_41, %add3A_53 : i32
      %dma_wait3A_55 = arith.constant 0 : i32
      %dma_wait3A_56 = tpu.memref_slice %arg8[%add3A_54, %dma_wait3A_55] : memref<200x128xi32, #tpu.memory_space<vmem>> -> memref<1x128xi32, #tpu.memory_space<vmem>>
      %dma_wait3A_57 = tpu.memref_squeeze %dma_wait3A_56 : memref<1x128xi32, #tpu.memory_space<vmem>> -> memref<128xi32, #tpu.memory_space<vmem>>
      %dma_wait3A_58 = arith.constant 0 : i32
      %dma_wait3A_59 = arith.constant 0 : i32
      %dma_wait3A_60 = tpu.memref_slice %arg2[%dma_wait3A_58, %dma_wait3A_59] : memref<50000x8xf32, #tpu.memory_space<hbm>> -> memref<50000x8xf32, #tpu.memory_space<hbm>>
      tpu.wait_indirect_dma semaphore(%arg15 : memref<!tpu.dma_semaphore, #tpu.memory_space<semaphore_mem>>) src(%dma_wait3A_60 : memref<50000x8xf32, #tpu.memory_space<hbm>>) dst(%arg11 : memref<128x8xf32, #tpu.memory_space<vmem>>)
      %add3A_61 = arith.constant 1 : i32
      %add3A_62 = arith.addi %mul3A_41, %add3A_61 : i32
      %dma_start3A_63 = arith.constant 0 : i32
      %dma_start3A_64 = tpu.memref_slice %arg9[%add3A_62, %dma_start3A_63] : memref<200x128xi32, #tpu.memory_space<vmem>> -> memref<1x128xi32, #tpu.memory_space<vmem>>
      %dma_start3A_65 = tpu.memref_squeeze %dma_start3A_64 : memref<1x128xi32, #tpu.memory_space<vmem>> -> memref<128xi32, #tpu.memory_space<vmem>>
      %dma_start3A_66 = arith.constant 0 : i32
      %dma_start3A_67 = arith.constant 0 : i32
      %dma_start3A_68 = tpu.memref_slice %arg13[%dma_start3A_66, %dma_start3A_67] : memref<50048x8xf32, #tpu.memory_space<vmem_shared>> -> memref<50048x8xf32, #tpu.memory_space<vmem_shared>>
      tpu.enqueue_indirect_dma source(%arg11 : memref<128x8xf32, #tpu.memory_space<vmem>>) target(%dma_start3A_68 : memref<50048x8xf32, #tpu.memory_space<vmem_shared>>) offsets(%dma_start3A_65 : memref<128xi32, #tpu.memory_space<vmem>>) semaphore(%arg17 : memref<!tpu.dma_semaphore, #tpu.memory_space<semaphore_mem>>) {add = true}
      %dma_wait3A_69 = arith.constant 0 : i32
      %dma_wait3A_70 = tpu.memref_slice %arg9[%mul3A_41, %dma_wait3A_69] : memref<200x128xi32, #tpu.memory_space<vmem>> -> memref<1x128xi32, #tpu.memory_space<vmem>>
      %dma_wait3A_71 = tpu.memref_squeeze %dma_wait3A_70 : memref<1x128xi32, #tpu.memory_space<vmem>> -> memref<128xi32, #tpu.memory_space<vmem>>
      %dma_wait3A_72 = arith.constant 0 : i32
      %dma_wait3A_73 = arith.constant 0 : i32
      %dma_wait3A_74 = tpu.memref_slice %arg13[%dma_wait3A_72, %dma_wait3A_73] : memref<50048x8xf32, #tpu.memory_space<vmem_shared>> -> memref<50048x8xf32, #tpu.memory_space<vmem_shared>>
      tpu.wait_indirect_dma semaphore(%arg16 : memref<!tpu.dma_semaphore, #tpu.memory_space<semaphore_mem>>) src(%arg10 : memref<128x8xf32, #tpu.memory_space<vmem>>) dst(%dma_wait3A_74 : memref<50048x8xf32, #tpu.memory_space<vmem_shared>>)
      %add3A_75 = arith.constant 1 : i32
      %add3A_76 = arith.addi %scan3A_39, %add3A_75 : i32
      %lt3A = arith.constant 100 : i32
      %lt3A_77 = arith.cmpi slt, %add3A_76, %lt3A : i32
      %convert_element_type3A_78 = arith.extui %lt3A_77 : i1 to i32
      %cond3A_79 = arith.constant 0 : i32
      %cond3A_80 = arith.cmpi ne, %convert_element_type3A_78, %cond3A_79 : i32
      scf.if %cond3A_80 {
        %add3A_96 = arith.constant 2 : i32
        %add3A_97 = arith.addi %mul3A_41, %add3A_96 : i32
        %dma_start3A_98 = arith.constant 0 : i32
        %dma_start3A_99 = tpu.memref_slice %arg8[%add3A_97, %dma_start3A_98] : memref<200x128xi32, #tpu.memory_space<vmem>> -> memref<1x128xi32, #tpu.memory_space<vmem>>
        %dma_start3A_100 = tpu.memref_squeeze %dma_start3A_99 : memref<1x128xi32, #tpu.memory_space<vmem>> -> memref<128xi32, #tpu.memory_space<vmem>>
        %dma_start3A_101 = arith.constant 0 : i32
        %dma_start3A_102 = arith.constant 0 : i32
        %dma_start3A_103 = tpu.memref_slice %arg2[%dma_start3A_101, %dma_start3A_102] : memref<50000x8xf32, #tpu.memory_space<hbm>> -> memref<50000x8xf32, #tpu.memory_space<hbm>>
        tpu.enqueue_indirect_dma source(%dma_start3A_103 : memref<50000x8xf32, #tpu.memory_space<hbm>>) target(%arg10 : memref<128x8xf32, #tpu.memory_space<vmem>>) offsets(%dma_start3A_100 : memref<128xi32, #tpu.memory_space<vmem>>) semaphore(%arg14 : memref<!tpu.dma_semaphore, #tpu.memory_space<semaphore_mem>>)
      } else {
      }
      %add3A_81 = arith.constant 1 : i32
      %add3A_82 = arith.addi %mul3A_41, %add3A_81 : i32
      %dma_wait3A_83 = arith.constant 0 : i32
      %dma_wait3A_84 = tpu.memref_slice %arg9[%add3A_82, %dma_wait3A_83] : memref<200x128xi32, #tpu.memory_space<vmem>> -> memref<1x128xi32, #tpu.memory_space<vmem>>
      %dma_wait3A_85 = tpu.memref_squeeze %dma_wait3A_84 : memref<1x128xi32, #tpu.memory_space<vmem>> -> memref<128xi32, #tpu.memory_space<vmem>>
      %dma_wait3A_86 = arith.constant 0 : i32
      %dma_wait3A_87 = arith.constant 0 : i32
      %dma_wait3A_88 = tpu.memref_slice %arg13[%dma_wait3A_86, %dma_wait3A_87] : memref<50048x8xf32, #tpu.memory_space<vmem_shared>> -> memref<50048x8xf32, #tpu.memory_space<vmem_shared>>
      tpu.wait_indirect_dma semaphore(%arg17 : memref<!tpu.dma_semaphore, #tpu.memory_space<semaphore_mem>>) src(%arg11 : memref<128x8xf32, #tpu.memory_space<vmem>>) dst(%dma_wait3A_88 : memref<50048x8xf32, #tpu.memory_space<vmem_shared>>)
      %add3A_89 = arith.constant 1 : i32
      %add3A_90 = arith.addi %scan3A_39, %add3A_89 : i32
      %lt3A_91 = arith.constant 100 : i32
      %lt3A_92 = arith.cmpi slt, %add3A_90, %lt3A_91 : i32
      %convert_element_type3A_93 = arith.extui %lt3A_92 : i1 to i32
      %cond3A_94 = arith.constant 0 : i32
      %cond3A_95 = arith.cmpi ne, %convert_element_type3A_93, %cond3A_94 : i32
      scf.if %cond3A_95 {
        %add3A_96 = arith.constant 3 : i32
        %add3A_97 = arith.addi %mul3A_41, %add3A_96 : i32
        %dma_start3A_98 = arith.constant 0 : i32
        %dma_start3A_99 = tpu.memref_slice %arg8[%add3A_97, %dma_start3A_98] : memref<200x128xi32, #tpu.memory_space<vmem>> -> memref<1x128xi32, #tpu.memory_space<vmem>>
        %dma_start3A_100 = tpu.memref_squeeze %dma_start3A_99 : memref<1x128xi32, #tpu.memory_space<vmem>> -> memref<128xi32, #tpu.memory_space<vmem>>
        %dma_start3A_101 = arith.constant 0 : i32
        %dma_start3A_102 = arith.constant 0 : i32
        %dma_start3A_103 = tpu.memref_slice %arg2[%dma_start3A_101, %dma_start3A_102] : memref<50000x8xf32, #tpu.memory_space<hbm>> -> memref<50000x8xf32, #tpu.memory_space<hbm>>
        tpu.enqueue_indirect_dma source(%dma_start3A_103 : memref<50000x8xf32, #tpu.memory_space<hbm>>) target(%arg11 : memref<128x8xf32, #tpu.memory_space<vmem>>) offsets(%dma_start3A_100 : memref<128xi32, #tpu.memory_space<vmem>>) semaphore(%arg15 : memref<!tpu.dma_semaphore, #tpu.memory_space<semaphore_mem>>)
      } else {
      }
    }
    %scan3A_30 = arith.constant 100 : i32
    %barrier3A_31 = arith.constant 0 : index
    tpu.barrier barrier_id(%barrier3A_31)
    %eq3A = arith.constant 0 : i32
    %eq3A_32 = arith.cmpi eq, %arg0, %eq3A : i32
    %convert_element_type3A = arith.extui %eq3A_32 : i1 to i32
    %cond3A = arith.constant 0 : i32
    %cond3A_33 = arith.cmpi ne, %convert_element_type3A, %cond3A : i32
    scf.if %cond3A_33 {
      %scan3A_39 = arith.constant 0 : i32
      %scan3A_40 = arith.constant 0 : i32
      %scan3A_41 = arith.constant 23 : i32
      %scan3A_42 = arith.addi %scan3A_40, %scan3A_41 : i32
      %scan3A_43 = arith.constant 1 : i32
      scf.for %scan3A_45 = %scan3A_40 to %scan3A_42 step %scan3A_43  : i32 {
        %mul3A_46 = arith.constant 136 : i32
        %mul3A_47 = arith.muli %scan3A_45, %mul3A_46 : i32
        %add3A_48 = arith.addi %mul3A_2, %mul3A_47 : i32
        "tpu.region"() ({
          %run_scoped3A = tpu.sem_alloc : memref<!tpu.dma_semaphore, #tpu.memory_space<semaphore_mem>>
          %dma_start3A_52 = arith.constant 0 : i32
          %dma_start3A_53 = tpu.memref_slice %arg13[%add3A_48, %dma_start3A_52] : memref<50048x8xf32, #tpu.memory_space<vmem_shared>> -> memref<136x8xf32, #tpu.memory_space<vmem_shared>>
          %dma_start3A_54 = arith.constant 0 : i32
          %dma_start3A_55 = tpu.memref_slice %arg13[%add3A_48, %dma_start3A_54] : memref<50048x8xf32, #tpu.memory_space<vmem_shared>> -> memref<136x8xf32, #tpu.memory_space<vmem_shared>>
          tpu.enqueue_dma source(%dma_start3A_55 : memref<136x8xf32, #tpu.memory_space<vmem_shared>>) target(%arg12 : memref<136x8xf32, #tpu.memory_space<vmem>>) target_semaphore(%run_scoped3A : memref<!tpu.dma_semaphore, #tpu.memory_space<semaphore_mem>>)
          %dma_wait3A = arith.constant 0 : i32
          %dma_wait3A_56 = tpu.memref_slice %arg13[%add3A_48, %dma_wait3A] : memref<50048x8xf32, #tpu.memory_space<vmem_shared>> -> memref<136x8xf32, #tpu.memory_space<vmem_shared>>
          %dma_wait3A_57 = arith.constant 0 : i32
          %dma_wait3A_58 = tpu.memref_slice %arg13[%add3A_48, %dma_wait3A_57] : memref<50048x8xf32, #tpu.memory_space<vmem_shared>> -> memref<136x8xf32, #tpu.memory_space<vmem_shared>>
          tpu.wait_dma2 semaphore(%run_scoped3A : memref<!tpu.dma_semaphore, #tpu.memory_space<semaphore_mem>>) src(%dma_wait3A_58 : memref<136x8xf32, #tpu.memory_space<vmem_shared>>) dst(%arg12 : memref<136x8xf32, #tpu.memory_space<vmem>>)
          tpu.yield
        }) : () -> ()
        %mul3A_49 = arith.constant 136 : i32
        %mul3A_50 = arith.muli %scan3A_45, %mul3A_49 : i32
        %add3A_51 = arith.addi %mul3A_2, %mul3A_50 : i32
        "tpu.region"() ({
          %run_scoped3A = tpu.sem_alloc : memref<!tpu.dma_semaphore, #tpu.memory_space<semaphore_mem>>
          %dma_start3A_52 = arith.constant 0 : i32
          %dma_start3A_53 = tpu.memref_slice %arg6[%add3A_51, %dma_start3A_52] : memref<50048x8xf32, #tpu.memory_space<hbm>> -> memref<136x8xf32, #tpu.memory_space<hbm>>
          %dma_start3A_54 = arith.constant 0 : i32
          %dma_start3A_55 = tpu.memref_slice %arg6[%add3A_51, %dma_start3A_54] : memref<50048x8xf32, #tpu.memory_space<hbm>> -> memref<136x8xf32, #tpu.memory_space<hbm>>
          tpu.enqueue_dma source(%arg12 : memref<136x8xf32, #tpu.memory_space<vmem>>) target(%dma_start3A_55 : memref<136x8xf32, #tpu.memory_space<hbm>>) target_semaphore(%run_scoped3A : memref<!tpu.dma_semaphore, #tpu.memory_space<semaphore_mem>>)
          %dma_wait3A = arith.constant 0 : i32
          %dma_wait3A_56 = tpu.memref_slice %arg6[%add3A_51, %dma_wait3A] : memref<50048x8xf32, #tpu.memory_space<hbm>> -> memref<136x8xf32, #tpu.memory_space<hbm>>
          %dma_wait3A_57 = arith.constant 0 : i32
          %dma_wait3A_58 = tpu.memref_slice %arg6[%add3A_51, %dma_wait3A_57] : memref<50048x8xf32, #tpu.memory_space<hbm>> -> memref<136x8xf32, #tpu.memory_space<hbm>>
          tpu.wait_dma2 semaphore(%run_scoped3A : memref<!tpu.dma_semaphore, #tpu.memory_space<semaphore_mem>>) src(%arg12 : memref<136x8xf32, #tpu.memory_space<vmem>>) dst(%dma_wait3A_58 : memref<136x8xf32, #tpu.memory_space<hbm>>)
          tpu.yield
        }) : () -> ()
      }
      %scan3A_44 = arith.constant 23 : i32
    } else {
    }
    %eq3A_34 = arith.constant 1 : i32
    %eq3A_35 = arith.cmpi eq, %arg0, %eq3A_34 : i32
    %convert_element_type3A_36 = arith.extui %eq3A_35 : i1 to i32
    %cond3A_37 = arith.constant 0 : i32
    %cond3A_38 = arith.cmpi ne, %convert_element_type3A_36, %cond3A_37 : i32
    scf.if %cond3A_38 {
      %scan3A_39 = arith.constant 0 : i32
      %scan3A_40 = arith.constant 0 : i32
      %scan3A_41 = arith.constant 23 : i32
      %scan3A_42 = arith.addi %scan3A_40, %scan3A_41 : i32
      %scan3A_43 = arith.constant 1 : i32
      scf.for %scan3A_45 = %scan3A_40 to %scan3A_42 step %scan3A_43  : i32 {
        %mul3A_46 = arith.constant 136 : i32
        %mul3A_47 = arith.muli %scan3A_45, %mul3A_46 : i32
        %add3A_48 = arith.addi %mul3A_2, %mul3A_47 : i32
        "tpu.region"() ({
          %run_scoped3A = tpu.sem_alloc : memref<!tpu.dma_semaphore, #tpu.memory_space<semaphore_mem>>
          %dma_start3A_52 = arith.constant 0 : i32
          %dma_start3A_53 = tpu.memref_slice %arg13[%add3A_48, %dma_start3A_52] : memref<50048x8xf32, #tpu.memory_space<vmem_shared>> -> memref<136x8xf32, #tpu.memory_space<vmem_shared>>
          %dma_start3A_54 = arith.constant 0 : i32
          %dma_start3A_55 = tpu.memref_slice %arg13[%add3A_48, %dma_start3A_54] : memref<50048x8xf32, #tpu.memory_space<vmem_shared>> -> memref<136x8xf32, #tpu.memory_space<vmem_shared>>
          tpu.enqueue_dma source(%dma_start3A_55 : memref<136x8xf32, #tpu.memory_space<vmem_shared>>) target(%arg12 : memref<136x8xf32, #tpu.memory_space<vmem>>) target_semaphore(%run_scoped3A : memref<!tpu.dma_semaphore, #tpu.memory_space<semaphore_mem>>)
          %dma_wait3A = arith.constant 0 : i32
          %dma_wait3A_56 = tpu.memref_slice %arg13[%add3A_48, %dma_wait3A] : memref<50048x8xf32, #tpu.memory_space<vmem_shared>> -> memref<136x8xf32, #tpu.memory_space<vmem_shared>>
          %dma_wait3A_57 = arith.constant 0 : i32
          %dma_wait3A_58 = tpu.memref_slice %arg13[%add3A_48, %dma_wait3A_57] : memref<50048x8xf32, #tpu.memory_space<vmem_shared>> -> memref<136x8xf32, #tpu.memory_space<vmem_shared>>
          tpu.wait_dma2 semaphore(%run_scoped3A : memref<!tpu.dma_semaphore, #tpu.memory_space<semaphore_mem>>) src(%dma_wait3A_58 : memref<136x8xf32, #tpu.memory_space<vmem_shared>>) dst(%arg12 : memref<136x8xf32, #tpu.memory_space<vmem>>)
          tpu.yield
        }) : () -> ()
        %mul3A_49 = arith.constant 136 : i32
        %mul3A_50 = arith.muli %scan3A_45, %mul3A_49 : i32
        %add3A_51 = arith.addi %mul3A_2, %mul3A_50 : i32
        "tpu.region"() ({
          %run_scoped3A = tpu.sem_alloc : memref<!tpu.dma_semaphore, #tpu.memory_space<semaphore_mem>>
          %dma_start3A_52 = arith.constant 0 : i32
          %dma_start3A_53 = tpu.memref_slice %arg7[%add3A_51, %dma_start3A_52] : memref<50048x8xf32, #tpu.memory_space<hbm>> -> memref<136x8xf32, #tpu.memory_space<hbm>>
          %dma_start3A_54 = arith.constant 0 : i32
          %dma_start3A_55 = tpu.memref_slice %arg7[%add3A_51, %dma_start3A_54] : memref<50048x8xf32, #tpu.memory_space<hbm>> -> memref<136x8xf32, #tpu.memory_space<hbm>>
          tpu.enqueue_dma source(%arg12 : memref<136x8xf32, #tpu.memory_space<vmem>>) target(%dma_start3A_55 : memref<136x8xf32, #tpu.memory_space<hbm>>) target_semaphore(%run_scoped3A : memref<!tpu.dma_semaphore, #tpu.memory_space<semaphore_mem>>)
          %dma_wait3A = arith.constant 0 : i32
          %dma_wait3A_56 = tpu.memref_slice %arg7[%add3A_51, %dma_wait3A] : memref<50048x8xf32, #tpu.memory_space<hbm>> -> memref<136x8xf32, #tpu.memory_space<hbm>>
          %dma_wait3A_57 = arith.constant 0 : i32
          %dma_wait3A_58 = tpu.memref_slice %arg7[%add3A_51, %dma_wait3A_57] : memref<50048x8xf32, #tpu.memory_space<hbm>> -> memref<136x8xf32, #tpu.memory_space<hbm>>
          tpu.wait_dma2 semaphore(%run_scoped3A : memref<!tpu.dma_semaphore, #tpu.memory_space<semaphore_mem>>) src(%arg12 : memref<136x8xf32, #tpu.memory_space<vmem>>) dst(%dma_wait3A_58 : memref<136x8xf32, #tpu.memory_space<hbm>>)
          tpu.yield
        }) : () -> ()
      }
      %scan3A_44 = arith.constant 23 : i32
    } else {
    }
    return
  }
}

#map = affine_map<(d0, d1) -> (0, 0)>
module attributes {stable_mosaic.version = 14 : i64} {
  func.func @body_fn(%arg0: i32, %arg1: i32, %arg2: memref<50000x16xf32, #tpu.memory_space<hbm>>, %arg3: memref<6400x128xi32, #tpu.memory_space<hbm>>, %arg4: memref<6400x128xi32, #tpu.memory_space<hbm>>, %arg5: memref<50048x16xf32, #tpu.memory_space<hbm>>, %arg6: memref<50048x16xf32, #tpu.memory_space<hbm>>, %arg7: memref<50048x16xf32, #tpu.memory_space<hbm>>, %arg8: memref<200x128xi32, #tpu.memory_space<vmem>>, %arg9: memref<200x128xi32, #tpu.memory_space<vmem>>, %arg10: memref<128x16xf32, #tpu.memory_space<vmem>>, %arg11: memref<128x16xf32, #tpu.memory_space<vmem>>, %arg12: memref<136x16xf32, #tpu.memory_space<vmem>>, %arg13: memref<50048x16xf32, #tpu.memory_space<vmem_shared>>, %arg14: memref<!tpu.dma_semaphore, #tpu.memory_space<semaphore_mem>>, %arg15: memref<!tpu.dma_semaphore, #tpu.memory_space<semaphore_mem>>, %arg16: memref<!tpu.dma_semaphore, #tpu.memory_space<semaphore_mem>>, %arg17: memref<!tpu.dma_semaphore, #tpu.memory_space<semaphore_mem>>) attributes {dimension_semantics = [#tpu.dimension_semantics<core_parallel>, #tpu.dimension_semantics<subcore_parallel>], iteration_bounds = array<i64: 2, 16>, scalar_prefetch = 0 : i64, scratch_operands = 10 : i64, tpu.core_type = #tpu.core_type<sc_vector_subcore>, window_params = [{transform_indices = #map}, {transform_indices = #map}, {transform_indices = #map}, {transform_indices = #map}, {transform_indices = #map}, {transform_indices = #map}]} {
    %mul3A = arith.constant 16 : i32
    %mul3A_0 = arith.muli %arg0, %mul3A : i32
    %add3A = arith.addi %mul3A_0, %arg1 : i32
    %mul3A_1 = arith.constant 3128 : i32
    %mul3A_2 = arith.muli %arg1, %mul3A_1 : i32
    "tpu.region"() ({
      %run_scoped3A = tpu.sem_alloc : memref<!tpu.dma_semaphore, #tpu.memory_space<semaphore_mem>>
      %dma_start3A_39 = arith.constant 0 : i32
      %dma_start3A_40 = arith.constant 0 : i32
      %dma_start3A_41 = tpu.memref_slice %arg5[%dma_start3A_39, %dma_start3A_40] : memref<50048x16xf32, #tpu.memory_space<hbm>> -> memref<136x16xf32, #tpu.memory_space<hbm>>
      %dma_start3A_42 = arith.constant 0 : i32
      %dma_start3A_43 = arith.constant 0 : i32
      %dma_start3A_44 = tpu.memref_slice %arg5[%dma_start3A_42, %dma_start3A_43] : memref<50048x16xf32, #tpu.memory_space<hbm>> -> memref<136x16xf32, #tpu.memory_space<hbm>>
      tpu.enqueue_dma source(%dma_start3A_44 : memref<136x16xf32, #tpu.memory_space<hbm>>) target(%arg12 : memref<136x16xf32, #tpu.memory_space<vmem>>) target_semaphore(%run_scoped3A : memref<!tpu.dma_semaphore, #tpu.memory_space<semaphore_mem>>)
      %dma_wait3A = arith.constant 0 : i32
      %dma_wait3A_45 = arith.constant 0 : i32
      %dma_wait3A_46 = tpu.memref_slice %arg5[%dma_wait3A, %dma_wait3A_45] : memref<50048x16xf32, #tpu.memory_space<hbm>> -> memref<136x16xf32, #tpu.memory_space<hbm>>
      %dma_wait3A_47 = arith.constant 0 : i32
      %dma_wait3A_48 = arith.constant 0 : i32
      %dma_wait3A_49 = tpu.memref_slice %arg5[%dma_wait3A_47, %dma_wait3A_48] : memref<50048x16xf32, #tpu.memory_space<hbm>> -> memref<136x16xf32, #tpu.memory_space<hbm>>
      tpu.wait_dma2 semaphore(%run_scoped3A : memref<!tpu.dma_semaphore, #tpu.memory_space<semaphore_mem>>) src(%dma_wait3A_49 : memref<136x16xf32, #tpu.memory_space<hbm>>) dst(%arg12 : memref<136x16xf32, #tpu.memory_space<vmem>>)
      tpu.yield
    }) : () -> ()
    %scan3A = arith.constant 0 : i32
    %scan3A_3 = arith.constant 0 : i32
    %scan3A_4 = arith.constant 23 : i32
    %scan3A_5 = arith.addi %scan3A_3, %scan3A_4 : i32
    %scan3A_6 = arith.constant 1 : i32
    scf.for %scan3A_39 = %scan3A_3 to %scan3A_5 step %scan3A_6  : i32 {
      %mul3A_40 = arith.constant 136 : i32
      %mul3A_41 = arith.muli %scan3A_39, %mul3A_40 : i32
      %add3A_42 = arith.addi %mul3A_2, %mul3A_41 : i32
      "tpu.region"() ({
        %run_scoped3A = tpu.sem_alloc : memref<!tpu.dma_semaphore, #tpu.memory_space<semaphore_mem>>
        %dma_start3A_43 = arith.constant 0 : i32
        %dma_start3A_44 = tpu.memref_slice %arg13[%add3A_42, %dma_start3A_43] : memref<50048x16xf32, #tpu.memory_space<vmem_shared>> -> memref<136x16xf32, #tpu.memory_space<vmem_shared>>
        %dma_start3A_45 = arith.constant 0 : i32
        %dma_start3A_46 = tpu.memref_slice %arg13[%add3A_42, %dma_start3A_45] : memref<50048x16xf32, #tpu.memory_space<vmem_shared>> -> memref<136x16xf32, #tpu.memory_space<vmem_shared>>
        tpu.enqueue_dma source(%arg12 : memref<136x16xf32, #tpu.memory_space<vmem>>) target(%dma_start3A_46 : memref<136x16xf32, #tpu.memory_space<vmem_shared>>) target_semaphore(%run_scoped3A : memref<!tpu.dma_semaphore, #tpu.memory_space<semaphore_mem>>)
        %dma_wait3A = arith.constant 0 : i32
        %dma_wait3A_47 = tpu.memref_slice %arg13[%add3A_42, %dma_wait3A] : memref<50048x16xf32, #tpu.memory_space<vmem_shared>> -> memref<136x16xf32, #tpu.memory_space<vmem_shared>>
        %dma_wait3A_48 = arith.constant 0 : i32
        %dma_wait3A_49 = tpu.memref_slice %arg13[%add3A_42, %dma_wait3A_48] : memref<50048x16xf32, #tpu.memory_space<vmem_shared>> -> memref<136x16xf32, #tpu.memory_space<vmem_shared>>
        tpu.wait_dma2 semaphore(%run_scoped3A : memref<!tpu.dma_semaphore, #tpu.memory_space<semaphore_mem>>) src(%arg12 : memref<136x16xf32, #tpu.memory_space<vmem>>) dst(%dma_wait3A_49 : memref<136x16xf32, #tpu.memory_space<vmem_shared>>)
        tpu.yield
      }) : () -> ()
    }
    %scan3A_7 = arith.constant 23 : i32
    %mul3A_8 = arith.constant 200 : i32
    %mul3A_9 = arith.muli %add3A, %mul3A_8 : i32
    "tpu.region"() ({
      %run_scoped3A = tpu.sem_alloc : memref<!tpu.dma_semaphore, #tpu.memory_space<semaphore_mem>>
      %dma_start3A_39 = arith.constant 0 : i32
      %dma_start3A_40 = tpu.memref_slice %arg3[%mul3A_9, %dma_start3A_39] : memref<6400x128xi32, #tpu.memory_space<hbm>> -> memref<200x128xi32, #tpu.memory_space<hbm>>
      %dma_start3A_41 = arith.constant 0 : i32
      %dma_start3A_42 = tpu.memref_slice %arg3[%mul3A_9, %dma_start3A_41] : memref<6400x128xi32, #tpu.memory_space<hbm>> -> memref<200x128xi32, #tpu.memory_space<hbm>>
      tpu.enqueue_dma source(%dma_start3A_42 : memref<200x128xi32, #tpu.memory_space<hbm>>) target(%arg8 : memref<200x128xi32, #tpu.memory_space<vmem>>) target_semaphore(%run_scoped3A : memref<!tpu.dma_semaphore, #tpu.memory_space<semaphore_mem>>)
      %dma_wait3A = arith.constant 0 : i32
      %dma_wait3A_43 = tpu.memref_slice %arg3[%mul3A_9, %dma_wait3A] : memref<6400x128xi32, #tpu.memory_space<hbm>> -> memref<200x128xi32, #tpu.memory_space<hbm>>
      %dma_wait3A_44 = arith.constant 0 : i32
      %dma_wait3A_45 = tpu.memref_slice %arg3[%mul3A_9, %dma_wait3A_44] : memref<6400x128xi32, #tpu.memory_space<hbm>> -> memref<200x128xi32, #tpu.memory_space<hbm>>
      tpu.wait_dma2 semaphore(%run_scoped3A : memref<!tpu.dma_semaphore, #tpu.memory_space<semaphore_mem>>) src(%dma_wait3A_45 : memref<200x128xi32, #tpu.memory_space<hbm>>) dst(%arg8 : memref<200x128xi32, #tpu.memory_space<vmem>>)
      tpu.yield
    }) : () -> ()
    %mul3A_10 = arith.constant 200 : i32
    %mul3A_11 = arith.muli %add3A, %mul3A_10 : i32
    "tpu.region"() ({
      %run_scoped3A = tpu.sem_alloc : memref<!tpu.dma_semaphore, #tpu.memory_space<semaphore_mem>>
      %dma_start3A_39 = arith.constant 0 : i32
      %dma_start3A_40 = tpu.memref_slice %arg4[%mul3A_11, %dma_start3A_39] : memref<6400x128xi32, #tpu.memory_space<hbm>> -> memref<200x128xi32, #tpu.memory_space<hbm>>
      %dma_start3A_41 = arith.constant 0 : i32
      %dma_start3A_42 = tpu.memref_slice %arg4[%mul3A_11, %dma_start3A_41] : memref<6400x128xi32, #tpu.memory_space<hbm>> -> memref<200x128xi32, #tpu.memory_space<hbm>>
      tpu.enqueue_dma source(%dma_start3A_42 : memref<200x128xi32, #tpu.memory_space<hbm>>) target(%arg9 : memref<200x128xi32, #tpu.memory_space<vmem>>) target_semaphore(%run_scoped3A : memref<!tpu.dma_semaphore, #tpu.memory_space<semaphore_mem>>)
      %dma_wait3A = arith.constant 0 : i32
      %dma_wait3A_43 = tpu.memref_slice %arg4[%mul3A_11, %dma_wait3A] : memref<6400x128xi32, #tpu.memory_space<hbm>> -> memref<200x128xi32, #tpu.memory_space<hbm>>
      %dma_wait3A_44 = arith.constant 0 : i32
      %dma_wait3A_45 = tpu.memref_slice %arg4[%mul3A_11, %dma_wait3A_44] : memref<6400x128xi32, #tpu.memory_space<hbm>> -> memref<200x128xi32, #tpu.memory_space<hbm>>
      tpu.wait_dma2 semaphore(%run_scoped3A : memref<!tpu.dma_semaphore, #tpu.memory_space<semaphore_mem>>) src(%dma_wait3A_45 : memref<200x128xi32, #tpu.memory_space<hbm>>) dst(%arg9 : memref<200x128xi32, #tpu.memory_space<vmem>>)
      tpu.yield
    }) : () -> ()
    %barrier3A = arith.constant 0 : index
    tpu.barrier barrier_id(%barrier3A)
    %dma_start3A = arith.constant 0 : i32
    %dma_start3A_12 = arith.constant 0 : i32
    %dma_start3A_13 = tpu.memref_slice %arg8[%dma_start3A, %dma_start3A_12] : memref<200x128xi32, #tpu.memory_space<vmem>> -> memref<1x128xi32, #tpu.memory_space<vmem>>
    %dma_start3A_14 = tpu.memref_squeeze %dma_start3A_13 : memref<1x128xi32, #tpu.memory_space<vmem>> -> memref<128xi32, #tpu.memory_space<vmem>>
    %dma_start3A_15 = arith.constant 0 : i32
    %dma_start3A_16 = arith.constant 0 : i32
    %dma_start3A_17 = tpu.memref_slice %arg2[%dma_start3A_15, %dma_start3A_16] : memref<50000x16xf32, #tpu.memory_space<hbm>> -> memref<50000x16xf32, #tpu.memory_space<hbm>>
    tpu.enqueue_indirect_dma source(%dma_start3A_17 : memref<50000x16xf32, #tpu.memory_space<hbm>>) target(%arg10 : memref<128x16xf32, #tpu.memory_space<vmem>>) offsets(%dma_start3A_14 : memref<128xi32, #tpu.memory_space<vmem>>) semaphore(%arg14 : memref<!tpu.dma_semaphore, #tpu.memory_space<semaphore_mem>>)
    %dma_start3A_18 = arith.constant 1 : i32
    %dma_start3A_19 = arith.constant 0 : i32
    %dma_start3A_20 = tpu.memref_slice %arg8[%dma_start3A_18, %dma_start3A_19] : memref<200x128xi32, #tpu.memory_space<vmem>> -> memref<1x128xi32, #tpu.memory_space<vmem>>
    %dma_start3A_21 = tpu.memref_squeeze %dma_start3A_20 : memref<1x128xi32, #tpu.memory_space<vmem>> -> memref<128xi32, #tpu.memory_space<vmem>>
    %dma_start3A_22 = arith.constant 0 : i32
    %dma_start3A_23 = arith.constant 0 : i32
    %dma_start3A_24 = tpu.memref_slice %arg2[%dma_start3A_22, %dma_start3A_23] : memref<50000x16xf32, #tpu.memory_space<hbm>> -> memref<50000x16xf32, #tpu.memory_space<hbm>>
    tpu.enqueue_indirect_dma source(%dma_start3A_24 : memref<50000x16xf32, #tpu.memory_space<hbm>>) target(%arg11 : memref<128x16xf32, #tpu.memory_space<vmem>>) offsets(%dma_start3A_21 : memref<128xi32, #tpu.memory_space<vmem>>) semaphore(%arg15 : memref<!tpu.dma_semaphore, #tpu.memory_space<semaphore_mem>>)
    %scan3A_25 = arith.constant 0 : i32
    %scan3A_26 = arith.constant 0 : i32
    %scan3A_27 = arith.constant 100 : i32
    %scan3A_28 = arith.addi %scan3A_26, %scan3A_27 : i32
    %scan3A_29 = arith.constant 1 : i32
    scf.for %scan3A_39 = %scan3A_26 to %scan3A_28 step %scan3A_29  : i32 {
      %mul3A_40 = arith.constant 2 : i32
      %mul3A_41 = arith.muli %mul3A_40, %scan3A_39 : i32
      %dma_wait3A = arith.constant 0 : i32
      %dma_wait3A_42 = tpu.memref_slice %arg8[%mul3A_41, %dma_wait3A] : memref<200x128xi32, #tpu.memory_space<vmem>> -> memref<1x128xi32, #tpu.memory_space<vmem>>
      %dma_wait3A_43 = tpu.memref_squeeze %dma_wait3A_42 : memref<1x128xi32, #tpu.memory_space<vmem>> -> memref<128xi32, #tpu.memory_space<vmem>>
      %dma_wait3A_44 = arith.constant 0 : i32
      %dma_wait3A_45 = arith.constant 0 : i32
      %dma_wait3A_46 = tpu.memref_slice %arg2[%dma_wait3A_44, %dma_wait3A_45] : memref<50000x16xf32, #tpu.memory_space<hbm>> -> memref<50000x16xf32, #tpu.memory_space<hbm>>
      tpu.wait_indirect_dma semaphore(%arg14 : memref<!tpu.dma_semaphore, #tpu.memory_space<semaphore_mem>>) src(%dma_wait3A_46 : memref<50000x16xf32, #tpu.memory_space<hbm>>) dst(%arg10 : memref<128x16xf32, #tpu.memory_space<vmem>>)
      %dma_start3A_47 = arith.constant 0 : i32
      %dma_start3A_48 = tpu.memref_slice %arg9[%mul3A_41, %dma_start3A_47] : memref<200x128xi32, #tpu.memory_space<vmem>> -> memref<1x128xi32, #tpu.memory_space<vmem>>
      %dma_start3A_49 = tpu.memref_squeeze %dma_start3A_48 : memref<1x128xi32, #tpu.memory_space<vmem>> -> memref<128xi32, #tpu.memory_space<vmem>>
      %dma_start3A_50 = arith.constant 0 : i32
      %dma_start3A_51 = arith.constant 0 : i32
      %dma_start3A_52 = tpu.memref_slice %arg13[%dma_start3A_50, %dma_start3A_51] : memref<50048x16xf32, #tpu.memory_space<vmem_shared>> -> memref<50048x16xf32, #tpu.memory_space<vmem_shared>>
      tpu.enqueue_indirect_dma source(%arg10 : memref<128x16xf32, #tpu.memory_space<vmem>>) target(%dma_start3A_52 : memref<50048x16xf32, #tpu.memory_space<vmem_shared>>) offsets(%dma_start3A_49 : memref<128xi32, #tpu.memory_space<vmem>>) semaphore(%arg16 : memref<!tpu.dma_semaphore, #tpu.memory_space<semaphore_mem>>) {add = true}
      %add3A_53 = arith.constant 1 : i32
      %add3A_54 = arith.addi %mul3A_41, %add3A_53 : i32
      %dma_wait3A_55 = arith.constant 0 : i32
      %dma_wait3A_56 = tpu.memref_slice %arg8[%add3A_54, %dma_wait3A_55] : memref<200x128xi32, #tpu.memory_space<vmem>> -> memref<1x128xi32, #tpu.memory_space<vmem>>
      %dma_wait3A_57 = tpu.memref_squeeze %dma_wait3A_56 : memref<1x128xi32, #tpu.memory_space<vmem>> -> memref<128xi32, #tpu.memory_space<vmem>>
      %dma_wait3A_58 = arith.constant 0 : i32
      %dma_wait3A_59 = arith.constant 0 : i32
      %dma_wait3A_60 = tpu.memref_slice %arg2[%dma_wait3A_58, %dma_wait3A_59] : memref<50000x16xf32, #tpu.memory_space<hbm>> -> memref<50000x16xf32, #tpu.memory_space<hbm>>
      tpu.wait_indirect_dma semaphore(%arg15 : memref<!tpu.dma_semaphore, #tpu.memory_space<semaphore_mem>>) src(%dma_wait3A_60 : memref<50000x16xf32, #tpu.memory_space<hbm>>) dst(%arg11 : memref<128x16xf32, #tpu.memory_space<vmem>>)
      %add3A_61 = arith.constant 1 : i32
      %add3A_62 = arith.addi %mul3A_41, %add3A_61 : i32
      %dma_start3A_63 = arith.constant 0 : i32
      %dma_start3A_64 = tpu.memref_slice %arg9[%add3A_62, %dma_start3A_63] : memref<200x128xi32, #tpu.memory_space<vmem>> -> memref<1x128xi32, #tpu.memory_space<vmem>>
      %dma_start3A_65 = tpu.memref_squeeze %dma_start3A_64 : memref<1x128xi32, #tpu.memory_space<vmem>> -> memref<128xi32, #tpu.memory_space<vmem>>
      %dma_start3A_66 = arith.constant 0 : i32
      %dma_start3A_67 = arith.constant 0 : i32
      %dma_start3A_68 = tpu.memref_slice %arg13[%dma_start3A_66, %dma_start3A_67] : memref<50048x16xf32, #tpu.memory_space<vmem_shared>> -> memref<50048x16xf32, #tpu.memory_space<vmem_shared>>
      tpu.enqueue_indirect_dma source(%arg11 : memref<128x16xf32, #tpu.memory_space<vmem>>) target(%dma_start3A_68 : memref<50048x16xf32, #tpu.memory_space<vmem_shared>>) offsets(%dma_start3A_65 : memref<128xi32, #tpu.memory_space<vmem>>) semaphore(%arg17 : memref<!tpu.dma_semaphore, #tpu.memory_space<semaphore_mem>>) {add = true}
      %dma_wait3A_69 = arith.constant 0 : i32
      %dma_wait3A_70 = tpu.memref_slice %arg9[%mul3A_41, %dma_wait3A_69] : memref<200x128xi32, #tpu.memory_space<vmem>> -> memref<1x128xi32, #tpu.memory_space<vmem>>
      %dma_wait3A_71 = tpu.memref_squeeze %dma_wait3A_70 : memref<1x128xi32, #tpu.memory_space<vmem>> -> memref<128xi32, #tpu.memory_space<vmem>>
      %dma_wait3A_72 = arith.constant 0 : i32
      %dma_wait3A_73 = arith.constant 0 : i32
      %dma_wait3A_74 = tpu.memref_slice %arg13[%dma_wait3A_72, %dma_wait3A_73] : memref<50048x16xf32, #tpu.memory_space<vmem_shared>> -> memref<50048x16xf32, #tpu.memory_space<vmem_shared>>
      tpu.wait_indirect_dma semaphore(%arg16 : memref<!tpu.dma_semaphore, #tpu.memory_space<semaphore_mem>>) src(%arg10 : memref<128x16xf32, #tpu.memory_space<vmem>>) dst(%dma_wait3A_74 : memref<50048x16xf32, #tpu.memory_space<vmem_shared>>)
      %add3A_75 = arith.constant 1 : i32
      %add3A_76 = arith.addi %scan3A_39, %add3A_75 : i32
      %lt3A = arith.constant 100 : i32
      %lt3A_77 = arith.cmpi slt, %add3A_76, %lt3A : i32
      %convert_element_type3A_78 = arith.extui %lt3A_77 : i1 to i32
      %cond3A_79 = arith.constant 0 : i32
      %cond3A_80 = arith.cmpi ne, %convert_element_type3A_78, %cond3A_79 : i32
      scf.if %cond3A_80 {
        %add3A_96 = arith.constant 2 : i32
        %add3A_97 = arith.addi %mul3A_41, %add3A_96 : i32
        %dma_start3A_98 = arith.constant 0 : i32
        %dma_start3A_99 = tpu.memref_slice %arg8[%add3A_97, %dma_start3A_98] : memref<200x128xi32, #tpu.memory_space<vmem>> -> memref<1x128xi32, #tpu.memory_space<vmem>>
        %dma_start3A_100 = tpu.memref_squeeze %dma_start3A_99 : memref<1x128xi32, #tpu.memory_space<vmem>> -> memref<128xi32, #tpu.memory_space<vmem>>
        %dma_start3A_101 = arith.constant 0 : i32
        %dma_start3A_102 = arith.constant 0 : i32
        %dma_start3A_103 = tpu.memref_slice %arg2[%dma_start3A_101, %dma_start3A_102] : memref<50000x16xf32, #tpu.memory_space<hbm>> -> memref<50000x16xf32, #tpu.memory_space<hbm>>
        tpu.enqueue_indirect_dma source(%dma_start3A_103 : memref<50000x16xf32, #tpu.memory_space<hbm>>) target(%arg10 : memref<128x16xf32, #tpu.memory_space<vmem>>) offsets(%dma_start3A_100 : memref<128xi32, #tpu.memory_space<vmem>>) semaphore(%arg14 : memref<!tpu.dma_semaphore, #tpu.memory_space<semaphore_mem>>)
      } else {
      }
      %add3A_81 = arith.constant 1 : i32
      %add3A_82 = arith.addi %mul3A_41, %add3A_81 : i32
      %dma_wait3A_83 = arith.constant 0 : i32
      %dma_wait3A_84 = tpu.memref_slice %arg9[%add3A_82, %dma_wait3A_83] : memref<200x128xi32, #tpu.memory_space<vmem>> -> memref<1x128xi32, #tpu.memory_space<vmem>>
      %dma_wait3A_85 = tpu.memref_squeeze %dma_wait3A_84 : memref<1x128xi32, #tpu.memory_space<vmem>> -> memref<128xi32, #tpu.memory_space<vmem>>
      %dma_wait3A_86 = arith.constant 0 : i32
      %dma_wait3A_87 = arith.constant 0 : i32
      %dma_wait3A_88 = tpu.memref_slice %arg13[%dma_wait3A_86, %dma_wait3A_87] : memref<50048x16xf32, #tpu.memory_space<vmem_shared>> -> memref<50048x16xf32, #tpu.memory_space<vmem_shared>>
      tpu.wait_indirect_dma semaphore(%arg17 : memref<!tpu.dma_semaphore, #tpu.memory_space<semaphore_mem>>) src(%arg11 : memref<128x16xf32, #tpu.memory_space<vmem>>) dst(%dma_wait3A_88 : memref<50048x16xf32, #tpu.memory_space<vmem_shared>>)
      %add3A_89 = arith.constant 1 : i32
      %add3A_90 = arith.addi %scan3A_39, %add3A_89 : i32
      %lt3A_91 = arith.constant 100 : i32
      %lt3A_92 = arith.cmpi slt, %add3A_90, %lt3A_91 : i32
      %convert_element_type3A_93 = arith.extui %lt3A_92 : i1 to i32
      %cond3A_94 = arith.constant 0 : i32
      %cond3A_95 = arith.cmpi ne, %convert_element_type3A_93, %cond3A_94 : i32
      scf.if %cond3A_95 {
        %add3A_96 = arith.constant 3 : i32
        %add3A_97 = arith.addi %mul3A_41, %add3A_96 : i32
        %dma_start3A_98 = arith.constant 0 : i32
        %dma_start3A_99 = tpu.memref_slice %arg8[%add3A_97, %dma_start3A_98] : memref<200x128xi32, #tpu.memory_space<vmem>> -> memref<1x128xi32, #tpu.memory_space<vmem>>
        %dma_start3A_100 = tpu.memref_squeeze %dma_start3A_99 : memref<1x128xi32, #tpu.memory_space<vmem>> -> memref<128xi32, #tpu.memory_space<vmem>>
        %dma_start3A_101 = arith.constant 0 : i32
        %dma_start3A_102 = arith.constant 0 : i32
        %dma_start3A_103 = tpu.memref_slice %arg2[%dma_start3A_101, %dma_start3A_102] : memref<50000x16xf32, #tpu.memory_space<hbm>> -> memref<50000x16xf32, #tpu.memory_space<hbm>>
        tpu.enqueue_indirect_dma source(%dma_start3A_103 : memref<50000x16xf32, #tpu.memory_space<hbm>>) target(%arg11 : memref<128x16xf32, #tpu.memory_space<vmem>>) offsets(%dma_start3A_100 : memref<128xi32, #tpu.memory_space<vmem>>) semaphore(%arg15 : memref<!tpu.dma_semaphore, #tpu.memory_space<semaphore_mem>>)
      } else {
      }
    }
    %scan3A_30 = arith.constant 100 : i32
    %barrier3A_31 = arith.constant 0 : index
    tpu.barrier barrier_id(%barrier3A_31)
    %eq3A = arith.constant 0 : i32
    %eq3A_32 = arith.cmpi eq, %arg0, %eq3A : i32
    %convert_element_type3A = arith.extui %eq3A_32 : i1 to i32
    %cond3A = arith.constant 0 : i32
    %cond3A_33 = arith.cmpi ne, %convert_element_type3A, %cond3A : i32
    scf.if %cond3A_33 {
      %scan3A_39 = arith.constant 0 : i32
      %scan3A_40 = arith.constant 0 : i32
      %scan3A_41 = arith.constant 23 : i32
      %scan3A_42 = arith.addi %scan3A_40, %scan3A_41 : i32
      %scan3A_43 = arith.constant 1 : i32
      scf.for %scan3A_45 = %scan3A_40 to %scan3A_42 step %scan3A_43  : i32 {
        %mul3A_46 = arith.constant 136 : i32
        %mul3A_47 = arith.muli %scan3A_45, %mul3A_46 : i32
        %add3A_48 = arith.addi %mul3A_2, %mul3A_47 : i32
        "tpu.region"() ({
          %run_scoped3A = tpu.sem_alloc : memref<!tpu.dma_semaphore, #tpu.memory_space<semaphore_mem>>
          %dma_start3A_52 = arith.constant 0 : i32
          %dma_start3A_53 = tpu.memref_slice %arg13[%add3A_48, %dma_start3A_52] : memref<50048x16xf32, #tpu.memory_space<vmem_shared>> -> memref<136x16xf32, #tpu.memory_space<vmem_shared>>
          %dma_start3A_54 = arith.constant 0 : i32
          %dma_start3A_55 = tpu.memref_slice %arg13[%add3A_48, %dma_start3A_54] : memref<50048x16xf32, #tpu.memory_space<vmem_shared>> -> memref<136x16xf32, #tpu.memory_space<vmem_shared>>
          tpu.enqueue_dma source(%dma_start3A_55 : memref<136x16xf32, #tpu.memory_space<vmem_shared>>) target(%arg12 : memref<136x16xf32, #tpu.memory_space<vmem>>) target_semaphore(%run_scoped3A : memref<!tpu.dma_semaphore, #tpu.memory_space<semaphore_mem>>)
          %dma_wait3A = arith.constant 0 : i32
          %dma_wait3A_56 = tpu.memref_slice %arg13[%add3A_48, %dma_wait3A] : memref<50048x16xf32, #tpu.memory_space<vmem_shared>> -> memref<136x16xf32, #tpu.memory_space<vmem_shared>>
          %dma_wait3A_57 = arith.constant 0 : i32
          %dma_wait3A_58 = tpu.memref_slice %arg13[%add3A_48, %dma_wait3A_57] : memref<50048x16xf32, #tpu.memory_space<vmem_shared>> -> memref<136x16xf32, #tpu.memory_space<vmem_shared>>
          tpu.wait_dma2 semaphore(%run_scoped3A : memref<!tpu.dma_semaphore, #tpu.memory_space<semaphore_mem>>) src(%dma_wait3A_58 : memref<136x16xf32, #tpu.memory_space<vmem_shared>>) dst(%arg12 : memref<136x16xf32, #tpu.memory_space<vmem>>)
          tpu.yield
        }) : () -> ()
        %mul3A_49 = arith.constant 136 : i32
        %mul3A_50 = arith.muli %scan3A_45, %mul3A_49 : i32
        %add3A_51 = arith.addi %mul3A_2, %mul3A_50 : i32
        "tpu.region"() ({
          %run_scoped3A = tpu.sem_alloc : memref<!tpu.dma_semaphore, #tpu.memory_space<semaphore_mem>>
          %dma_start3A_52 = arith.constant 0 : i32
          %dma_start3A_53 = tpu.memref_slice %arg6[%add3A_51, %dma_start3A_52] : memref<50048x16xf32, #tpu.memory_space<hbm>> -> memref<136x16xf32, #tpu.memory_space<hbm>>
          %dma_start3A_54 = arith.constant 0 : i32
          %dma_start3A_55 = tpu.memref_slice %arg6[%add3A_51, %dma_start3A_54] : memref<50048x16xf32, #tpu.memory_space<hbm>> -> memref<136x16xf32, #tpu.memory_space<hbm>>
          tpu.enqueue_dma source(%arg12 : memref<136x16xf32, #tpu.memory_space<vmem>>) target(%dma_start3A_55 : memref<136x16xf32, #tpu.memory_space<hbm>>) target_semaphore(%run_scoped3A : memref<!tpu.dma_semaphore, #tpu.memory_space<semaphore_mem>>)
          %dma_wait3A = arith.constant 0 : i32
          %dma_wait3A_56 = tpu.memref_slice %arg6[%add3A_51, %dma_wait3A] : memref<50048x16xf32, #tpu.memory_space<hbm>> -> memref<136x16xf32, #tpu.memory_space<hbm>>
          %dma_wait3A_57 = arith.constant 0 : i32
          %dma_wait3A_58 = tpu.memref_slice %arg6[%add3A_51, %dma_wait3A_57] : memref<50048x16xf32, #tpu.memory_space<hbm>> -> memref<136x16xf32, #tpu.memory_space<hbm>>
          tpu.wait_dma2 semaphore(%run_scoped3A : memref<!tpu.dma_semaphore, #tpu.memory_space<semaphore_mem>>) src(%arg12 : memref<136x16xf32, #tpu.memory_space<vmem>>) dst(%dma_wait3A_58 : memref<136x16xf32, #tpu.memory_space<hbm>>)
          tpu.yield
        }) : () -> ()
      }
      %scan3A_44 = arith.constant 23 : i32
    } else {
    }
    %eq3A_34 = arith.constant 1 : i32
    %eq3A_35 = arith.cmpi eq, %arg0, %eq3A_34 : i32
    %convert_element_type3A_36 = arith.extui %eq3A_35 : i1 to i32
    %cond3A_37 = arith.constant 0 : i32
    %cond3A_38 = arith.cmpi ne, %convert_element_type3A_36, %cond3A_37 : i32
    scf.if %cond3A_38 {
      %scan3A_39 = arith.constant 0 : i32
      %scan3A_40 = arith.constant 0 : i32
      %scan3A_41 = arith.constant 23 : i32
      %scan3A_42 = arith.addi %scan3A_40, %scan3A_41 : i32
      %scan3A_43 = arith.constant 1 : i32
      scf.for %scan3A_45 = %scan3A_40 to %scan3A_42 step %scan3A_43  : i32 {
        %mul3A_46 = arith.constant 136 : i32
        %mul3A_47 = arith.muli %scan3A_45, %mul3A_46 : i32
        %add3A_48 = arith.addi %mul3A_2, %mul3A_47 : i32
        "tpu.region"() ({
          %run_scoped3A = tpu.sem_alloc : memref<!tpu.dma_semaphore, #tpu.memory_space<semaphore_mem>>
          %dma_start3A_52 = arith.constant 0 : i32
          %dma_start3A_53 = tpu.memref_slice %arg13[%add3A_48, %dma_start3A_52] : memref<50048x16xf32, #tpu.memory_space<vmem_shared>> -> memref<136x16xf32, #tpu.memory_space<vmem_shared>>
          %dma_start3A_54 = arith.constant 0 : i32
          %dma_start3A_55 = tpu.memref_slice %arg13[%add3A_48, %dma_start3A_54] : memref<50048x16xf32, #tpu.memory_space<vmem_shared>> -> memref<136x16xf32, #tpu.memory_space<vmem_shared>>
          tpu.enqueue_dma source(%dma_start3A_55 : memref<136x16xf32, #tpu.memory_space<vmem_shared>>) target(%arg12 : memref<136x16xf32, #tpu.memory_space<vmem>>) target_semaphore(%run_scoped3A : memref<!tpu.dma_semaphore, #tpu.memory_space<semaphore_mem>>)
          %dma_wait3A = arith.constant 0 : i32
          %dma_wait3A_56 = tpu.memref_slice %arg13[%add3A_48, %dma_wait3A] : memref<50048x16xf32, #tpu.memory_space<vmem_shared>> -> memref<136x16xf32, #tpu.memory_space<vmem_shared>>
          %dma_wait3A_57 = arith.constant 0 : i32
          %dma_wait3A_58 = tpu.memref_slice %arg13[%add3A_48, %dma_wait3A_57] : memref<50048x16xf32, #tpu.memory_space<vmem_shared>> -> memref<136x16xf32, #tpu.memory_space<vmem_shared>>
          tpu.wait_dma2 semaphore(%run_scoped3A : memref<!tpu.dma_semaphore, #tpu.memory_space<semaphore_mem>>) src(%dma_wait3A_58 : memref<136x16xf32, #tpu.memory_space<vmem_shared>>) dst(%arg12 : memref<136x16xf32, #tpu.memory_space<vmem>>)
          tpu.yield
        }) : () -> ()
        %mul3A_49 = arith.constant 136 : i32
        %mul3A_50 = arith.muli %scan3A_45, %mul3A_49 : i32
        %add3A_51 = arith.addi %mul3A_2, %mul3A_50 : i32
        "tpu.region"() ({
          %run_scoped3A = tpu.sem_alloc : memref<!tpu.dma_semaphore, #tpu.memory_space<semaphore_mem>>
          %dma_start3A_52 = arith.constant 0 : i32
          %dma_start3A_53 = tpu.memref_slice %arg7[%add3A_51, %dma_start3A_52] : memref<50048x16xf32, #tpu.memory_space<hbm>> -> memref<136x16xf32, #tpu.memory_space<hbm>>
          %dma_start3A_54 = arith.constant 0 : i32
          %dma_start3A_55 = tpu.memref_slice %arg7[%add3A_51, %dma_start3A_54] : memref<50048x16xf32, #tpu.memory_space<hbm>> -> memref<136x16xf32, #tpu.memory_space<hbm>>
          tpu.enqueue_dma source(%arg12 : memref<136x16xf32, #tpu.memory_space<vmem>>) target(%dma_start3A_55 : memref<136x16xf32, #tpu.memory_space<hbm>>) target_semaphore(%run_scoped3A : memref<!tpu.dma_semaphore, #tpu.memory_space<semaphore_mem>>)
          %dma_wait3A = arith.constant 0 : i32
          %dma_wait3A_56 = tpu.memref_slice %arg7[%add3A_51, %dma_wait3A] : memref<50048x16xf32, #tpu.memory_space<hbm>> -> memref<136x16xf32, #tpu.memory_space<hbm>>
          %dma_wait3A_57 = arith.constant 0 : i32
          %dma_wait3A_58 = tpu.memref_slice %arg7[%add3A_51, %dma_wait3A_57] : memref<50048x16xf32, #tpu.memory_space<hbm>> -> memref<136x16xf32, #tpu.memory_space<hbm>>
          tpu.wait_dma2 semaphore(%run_scoped3A : memref<!tpu.dma_semaphore, #tpu.memory_space<semaphore_mem>>) src(%arg12 : memref<136x16xf32, #tpu.memory_space<vmem>>) dst(%dma_wait3A_58 : memref<136x16xf32, #tpu.memory_space<hbm>>)
          tpu.yield
        }) : () -> ()
      }
      %scan3A_44 = arith.constant 23 : i32
    } else {
    }
    return
  }
}

#map = affine_map<(d0, d1) -> (0, 0)>
#map1 = affine_map<(d0, d1) -> (0)>
module attributes {stable_mosaic.version = 14 : i64} {
  func.func @_sc_deg(%arg0: i32, %arg1: i32, %arg2: memref<6400x128xi32, #tpu.memory_space<hbm>>, %arg3: memref<50048xf32, #tpu.memory_space<hbm>>, %arg4: memref<128xf32, #tpu.memory_space<hbm>>, %arg5: memref<100096xf32, #tpu.memory_space<hbm>>, %arg6: memref<200x128xi32, #tpu.memory_space<vmem>>, %arg7: memref<128xf32, #tpu.memory_space<vmem>>, %arg8: memref<3128xf32, #tpu.memory_space<vmem>>, %arg9: memref<50048xf32, #tpu.memory_space<vmem_shared>>) attributes {dimension_semantics = [#tpu.dimension_semantics<core_parallel>, #tpu.dimension_semantics<subcore_parallel>], iteration_bounds = array<i64: 2, 16>, scalar_prefetch = 0 : i64, scratch_operands = 4 : i64, tpu.core_type = #tpu.core_type<sc_vector_subcore>, window_params = [{transform_indices = #map}, {transform_indices = #map1}, {transform_indices = #map1}, {transform_indices = #map1}]} {
    %mul3A = arith.constant 16 : i32
    %mul3A_0 = arith.muli %arg0, %mul3A : i32
    %add3A = arith.addi %mul3A_0, %arg1 : i32
    %mul3A_1 = arith.constant 3128 : i32
    %mul3A_2 = arith.muli %arg1, %mul3A_1 : i32
    "tpu.region"() ({
      %run_scoped3A = tpu.sem_alloc : memref<!tpu.dma_semaphore, #tpu.memory_space<semaphore_mem>>
      %dma_start3A = tpu.memref_slice %arg3[%mul3A_2] : memref<50048xf32, #tpu.memory_space<hbm>> -> memref<3128xf32, #tpu.memory_space<hbm>>
      %dma_start3A_14 = tpu.memref_slice %arg3[%mul3A_2] : memref<50048xf32, #tpu.memory_space<hbm>> -> memref<3128xf32, #tpu.memory_space<hbm>>
      tpu.enqueue_dma source(%dma_start3A_14 : memref<3128xf32, #tpu.memory_space<hbm>>) target(%arg8 : memref<3128xf32, #tpu.memory_space<vmem>>) target_semaphore(%run_scoped3A : memref<!tpu.dma_semaphore, #tpu.memory_space<semaphore_mem>>)
      %dma_wait3A = tpu.memref_slice %arg3[%mul3A_2] : memref<50048xf32, #tpu.memory_space<hbm>> -> memref<3128xf32, #tpu.memory_space<hbm>>
      %dma_wait3A_15 = tpu.memref_slice %arg3[%mul3A_2] : memref<50048xf32, #tpu.memory_space<hbm>> -> memref<3128xf32, #tpu.memory_space<hbm>>
      tpu.wait_dma2 semaphore(%run_scoped3A : memref<!tpu.dma_semaphore, #tpu.memory_space<semaphore_mem>>) src(%dma_wait3A_15 : memref<3128xf32, #tpu.memory_space<hbm>>) dst(%arg8 : memref<3128xf32, #tpu.memory_space<vmem>>)
      tpu.yield
    }) : () -> ()
    "tpu.region"() ({
      %run_scoped3A = tpu.sem_alloc : memref<!tpu.dma_semaphore, #tpu.memory_space<semaphore_mem>>
      %dma_start3A = tpu.memref_slice %arg9[%mul3A_2] : memref<50048xf32, #tpu.memory_space<vmem_shared>> -> memref<3128xf32, #tpu.memory_space<vmem_shared>>
      %dma_start3A_14 = tpu.memref_slice %arg9[%mul3A_2] : memref<50048xf32, #tpu.memory_space<vmem_shared>> -> memref<3128xf32, #tpu.memory_space<vmem_shared>>
      tpu.enqueue_dma source(%arg8 : memref<3128xf32, #tpu.memory_space<vmem>>) target(%dma_start3A_14 : memref<3128xf32, #tpu.memory_space<vmem_shared>>) target_semaphore(%run_scoped3A : memref<!tpu.dma_semaphore, #tpu.memory_space<semaphore_mem>>)
      %dma_wait3A = tpu.memref_slice %arg9[%mul3A_2] : memref<50048xf32, #tpu.memory_space<vmem_shared>> -> memref<3128xf32, #tpu.memory_space<vmem_shared>>
      %dma_wait3A_15 = tpu.memref_slice %arg9[%mul3A_2] : memref<50048xf32, #tpu.memory_space<vmem_shared>> -> memref<3128xf32, #tpu.memory_space<vmem_shared>>
      tpu.wait_dma2 semaphore(%run_scoped3A : memref<!tpu.dma_semaphore, #tpu.memory_space<semaphore_mem>>) src(%arg8 : memref<3128xf32, #tpu.memory_space<vmem>>) dst(%dma_wait3A_15 : memref<3128xf32, #tpu.memory_space<vmem_shared>>)
      tpu.yield
    }) : () -> ()
    "tpu.region"() ({
      %run_scoped3A = tpu.sem_alloc : memref<!tpu.dma_semaphore, #tpu.memory_space<semaphore_mem>>
      tpu.enqueue_dma source(%arg4 : memref<128xf32, #tpu.memory_space<hbm>>) target(%arg7 : memref<128xf32, #tpu.memory_space<vmem>>) target_semaphore(%run_scoped3A : memref<!tpu.dma_semaphore, #tpu.memory_space<semaphore_mem>>)
      tpu.wait_dma2 semaphore(%run_scoped3A : memref<!tpu.dma_semaphore, #tpu.memory_space<semaphore_mem>>) src(%arg4 : memref<128xf32, #tpu.memory_space<hbm>>) dst(%arg7 : memref<128xf32, #tpu.memory_space<vmem>>)
      tpu.yield
    }) : () -> ()
    %mul3A_3 = arith.constant 200 : i32
    %mul3A_4 = arith.muli %add3A, %mul3A_3 : i32
    "tpu.region"() ({
      %run_scoped3A = tpu.sem_alloc : memref<!tpu.dma_semaphore, #tpu.memory_space<semaphore_mem>>
      %dma_start3A = arith.constant 0 : i32
      %dma_start3A_14 = tpu.memref_slice %arg2[%mul3A_4, %dma_start3A] : memref<6400x128xi32, #tpu.memory_space<hbm>> -> memref<200x128xi32, #tpu.memory_space<hbm>>
      %dma_start3A_15 = arith.constant 0 : i32
      %dma_start3A_16 = tpu.memref_slice %arg2[%mul3A_4, %dma_start3A_15] : memref<6400x128xi32, #tpu.memory_space<hbm>> -> memref<200x128xi32, #tpu.memory_space<hbm>>
      tpu.enqueue_dma source(%dma_start3A_16 : memref<200x128xi32, #tpu.memory_space<hbm>>) target(%arg6 : memref<200x128xi32, #tpu.memory_space<vmem>>) target_semaphore(%run_scoped3A : memref<!tpu.dma_semaphore, #tpu.memory_space<semaphore_mem>>)
      %dma_wait3A = arith.constant 0 : i32
      %dma_wait3A_17 = tpu.memref_slice %arg2[%mul3A_4, %dma_wait3A] : memref<6400x128xi32, #tpu.memory_space<hbm>> -> memref<200x128xi32, #tpu.memory_space<hbm>>
      %dma_wait3A_18 = arith.constant 0 : i32
      %dma_wait3A_19 = tpu.memref_slice %arg2[%mul3A_4, %dma_wait3A_18] : memref<6400x128xi32, #tpu.memory_space<hbm>> -> memref<200x128xi32, #tpu.memory_space<hbm>>
      tpu.wait_dma2 semaphore(%run_scoped3A : memref<!tpu.dma_semaphore, #tpu.memory_space<semaphore_mem>>) src(%dma_wait3A_19 : memref<200x128xi32, #tpu.memory_space<hbm>>) dst(%arg6 : memref<200x128xi32, #tpu.memory_space<vmem>>)
      tpu.yield
    }) : () -> ()
    %barrier3A = arith.constant 0 : index
    tpu.barrier barrier_id(%barrier3A)
    %scan3A = arith.constant 0 : i32
    %scan3A_5 = arith.constant 0 : i32
    %scan3A_6 = arith.constant 200 : i32
    %scan3A_7 = arith.addi %scan3A_5, %scan3A_6 : i32
    %scan3A_8 = arith.constant 1 : i32
    scf.for %scan3A_14 = %scan3A_5 to %scan3A_7 step %scan3A_8  : i32 {
      "tpu.region"() ({
        %run_scoped3A = tpu.sem_alloc : memref<!tpu.dma_semaphore, #tpu.memory_space<semaphore_mem>>
        %dma_start3A = arith.constant 0 : i32
        %dma_start3A_15 = tpu.memref_slice %arg6[%scan3A_14, %dma_start3A] : memref<200x128xi32, #tpu.memory_space<vmem>> -> memref<1x128xi32, #tpu.memory_space<vmem>>
        %dma_start3A_16 = tpu.memref_squeeze %dma_start3A_15 : memref<1x128xi32, #tpu.memory_space<vmem>> -> memref<128xi32, #tpu.memory_space<vmem>>
        %dma_start3A_17 = arith.constant 0 : i32
        %dma_start3A_18 = tpu.memref_slice %arg9[%dma_start3A_17] : memref<50048xf32, #tpu.memory_space<vmem_shared>> -> memref<50048xf32, #tpu.memory_space<vmem_shared>>
        tpu.enqueue_indirect_dma source(%arg7 : memref<128xf32, #tpu.memory_space<vmem>>) target(%dma_start3A_18 : memref<50048xf32, #tpu.memory_space<vmem_shared>>) offsets(%dma_start3A_16 : memref<128xi32, #tpu.memory_space<vmem>>) semaphore(%run_scoped3A : memref<!tpu.dma_semaphore, #tpu.memory_space<semaphore_mem>>) {add = true}
        %dma_wait3A = arith.constant 0 : i32
        %dma_wait3A_19 = tpu.memref_slice %arg6[%scan3A_14, %dma_wait3A] : memref<200x128xi32, #tpu.memory_space<vmem>> -> memref<1x128xi32, #tpu.memory_space<vmem>>
        %dma_wait3A_20 = tpu.memref_squeeze %dma_wait3A_19 : memref<1x128xi32, #tpu.memory_space<vmem>> -> memref<128xi32, #tpu.memory_space<vmem>>
        %dma_wait3A_21 = arith.constant 0 : i32
        %dma_wait3A_22 = tpu.memref_slice %arg9[%dma_wait3A_21] : memref<50048xf32, #tpu.memory_space<vmem_shared>> -> memref<50048xf32, #tpu.memory_space<vmem_shared>>
        tpu.wait_indirect_dma semaphore(%run_scoped3A : memref<!tpu.dma_semaphore, #tpu.memory_space<semaphore_mem>>) src(%arg7 : memref<128xf32, #tpu.memory_space<vmem>>) dst(%dma_wait3A_22 : memref<50048xf32, #tpu.memory_space<vmem_shared>>)
        tpu.yield
      }) : () -> ()
    }
    %scan3A_9 = arith.constant 200 : i32
    %barrier3A_10 = arith.constant 0 : index
    tpu.barrier barrier_id(%barrier3A_10)
    "tpu.region"() ({
      %run_scoped3A = tpu.sem_alloc : memref<!tpu.dma_semaphore, #tpu.memory_space<semaphore_mem>>
      %dma_start3A = tpu.memref_slice %arg9[%mul3A_2] : memref<50048xf32, #tpu.memory_space<vmem_shared>> -> memref<3128xf32, #tpu.memory_space<vmem_shared>>
      %dma_start3A_14 = tpu.memref_slice %arg9[%mul3A_2] : memref<50048xf32, #tpu.memory_space<vmem_shared>> -> memref<3128xf32, #tpu.memory_space<vmem_shared>>
      tpu.enqueue_dma source(%dma_start3A_14 : memref<3128xf32, #tpu.memory_space<vmem_shared>>) target(%arg8 : memref<3128xf32, #tpu.memory_space<vmem>>) target_semaphore(%run_scoped3A : memref<!tpu.dma_semaphore, #tpu.memory_space<semaphore_mem>>)
      %dma_wait3A = tpu.memref_slice %arg9[%mul3A_2] : memref<50048xf32, #tpu.memory_space<vmem_shared>> -> memref<3128xf32, #tpu.memory_space<vmem_shared>>
      %dma_wait3A_15 = tpu.memref_slice %arg9[%mul3A_2] : memref<50048xf32, #tpu.memory_space<vmem_shared>> -> memref<3128xf32, #tpu.memory_space<vmem_shared>>
      tpu.wait_dma2 semaphore(%run_scoped3A : memref<!tpu.dma_semaphore, #tpu.memory_space<semaphore_mem>>) src(%dma_wait3A_15 : memref<3128xf32, #tpu.memory_space<vmem_shared>>) dst(%arg8 : memref<3128xf32, #tpu.memory_space<vmem>>)
      tpu.yield
    }) : () -> ()
    %mul3A_11 = arith.constant 50048 : i32
    %mul3A_12 = arith.muli %arg0, %mul3A_11 : i32
    %add3A_13 = arith.addi %mul3A_12, %mul3A_2 : i32
    "tpu.region"() ({
      %run_scoped3A = tpu.sem_alloc : memref<!tpu.dma_semaphore, #tpu.memory_space<semaphore_mem>>
      %dma_start3A = tpu.memref_slice %arg5[%add3A_13] : memref<100096xf32, #tpu.memory_space<hbm>> -> memref<3128xf32, #tpu.memory_space<hbm>>
      %dma_start3A_14 = tpu.memref_slice %arg5[%add3A_13] : memref<100096xf32, #tpu.memory_space<hbm>> -> memref<3128xf32, #tpu.memory_space<hbm>>
      tpu.enqueue_dma source(%arg8 : memref<3128xf32, #tpu.memory_space<vmem>>) target(%dma_start3A_14 : memref<3128xf32, #tpu.memory_space<hbm>>) target_semaphore(%run_scoped3A : memref<!tpu.dma_semaphore, #tpu.memory_space<semaphore_mem>>)
      %dma_wait3A = tpu.memref_slice %arg5[%add3A_13] : memref<100096xf32, #tpu.memory_space<hbm>> -> memref<3128xf32, #tpu.memory_space<hbm>>
      %dma_wait3A_15 = tpu.memref_slice %arg5[%add3A_13] : memref<100096xf32, #tpu.memory_space<hbm>> -> memref<3128xf32, #tpu.memory_space<hbm>>
      tpu.wait_dma2 semaphore(%run_scoped3A : memref<!tpu.dma_semaphore, #tpu.memory_space<semaphore_mem>>) src(%arg8 : memref<3128xf32, #tpu.memory_space<vmem>>) dst(%dma_wait3A_15 : memref<3128xf32, #tpu.memory_space<hbm>>)
      tpu.yield
    }) : () -> ()
    return
  }
}

module attributes {stable_mosaic.version = 14 : i64} {
  func.func @_mm_body(%arg0: i32, %arg1: memref<1433x2048xf32, #tpu.memory_space<vmem>>, %arg2: memref<1433x16xf32, #tpu.memory_space<vmem>>, %arg3: memref<2048x2xf32, #tpu.memory_space<vmem>>, %arg4: memref<2048x16xf32, #tpu.memory_space<vmem>>) attributes {dimension_semantics = [#tpu.dimension_semantics<arbitrary>], iteration_bounds = array<i64: 25>, scalar_prefetch = 0 : i64, scratch_operands = 0 : i64, tpu.core_type = #tpu.core_type<tc>, window_params = [{transform_indices = @transform_0, window_bounds = array<i64: 1433, 2048>}, {pipeline_mode = #tpu.pipeline_mode<synchronous>, transform_indices = @transform_1, window_bounds = array<i64: 1433, 16>}, {transform_indices = @transform_2, window_bounds = array<i64: 2048, 2>}, {transform_indices = @transform_3, window_bounds = array<i64: 2048, 16>}]} {
    %get3A = arith.constant 0 : index
    %get3A_0 = arith.constant 0 : index
    %get3A_1 = vector.load %arg3[%get3A, %get3A_0] : memref<2048x2xf32, #tpu.memory_space<vmem>>, vector<2048x2xf32>
    %slice3A = vector.extract_strided_slice %get3A_1 {offsets = [0, 0], sizes = [2048, 1], strides = [1, 1]} : vector<2048x2xf32> to vector<2048x1xf32>
    %squeeze3A = vector.shape_cast %slice3A : vector<2048x1xf32> to vector<2048xf32>
    %slice3A_2 = vector.extract_strided_slice %get3A_1 {offsets = [0, 1], sizes = [2048, 1], strides = [1, 1]} : vector<2048x2xf32> to vector<2048x1xf32>
    %squeeze3A_3 = vector.shape_cast %slice3A_2 : vector<2048x1xf32> to vector<2048xf32>
    %add3A = arith.addf %squeeze3A, %squeeze3A_3 : vector<2048xf32>
    %add3A_4 = arith.constant 1.000000e+00 : f32
    %add3A_5 = vector.broadcast %add3A_4 : f32 to vector<2048xf32>
    %add3A_6 = arith.addf %add3A, %add3A_5 : vector<2048xf32>
    %rsqrt3A = math.rsqrt %add3A_6 : vector<2048xf32>
    %get3A_7 = arith.constant 0 : index
    %get3A_8 = arith.constant 0 : index
    %get3A_9 = vector.load %arg1[%get3A_7, %get3A_8] : memref<1433x2048xf32, #tpu.memory_space<vmem>>, vector<1433x2048xf32>
    %get3A_10 = arith.constant 0 : index
    %get3A_11 = arith.constant 0 : index
    %get3A_12 = vector.load %arg2[%get3A_10, %get3A_11] : memref<1433x16xf32, #tpu.memory_space<vmem>>, vector<1433x16xf32>
    %dot_general3A = arith.constant dense<0.000000e+00> : vector<2048x16xf32>
    %dot_general3A_13 = tpu.matmul %get3A_9, %get3A_12, %dot_general3A {dimension_numbers = #tpu.dot_dimension_numbers<[0], [0], [1], [1], [0, 1, 1, 1], [], []>, transpose_lhs_hint = false} : vector<1433x2048xf32>, vector<1433x16xf32>, vector<2048x16xf32> -> vector<2048x16xf32>
    %broadcast_in_dim3A = vector.shape_cast %rsqrt3A : vector<2048xf32> to vector<2048x1xf32>
    %mul3A = vector.broadcast %broadcast_in_dim3A : vector<2048x1xf32> to vector<2048x16xf32>
    %mul3A_14 = arith.mulf %dot_general3A_13, %mul3A : vector<2048x16xf32>
    %swap3A = arith.constant 0 : index
    %swap3A_15 = arith.constant 0 : index
    %swap3A_16 = vector.load %arg4[%swap3A, %swap3A_15] : memref<2048x16xf32, #tpu.memory_space<vmem>>, vector<2048x16xf32>
    tpu.vector_store %arg4[%swap3A, %swap3A_15], %mul3A_14 {strides = array<i32>} : memref<2048x16xf32, #tpu.memory_space<vmem>>, vector<2048x16xf32>,
    return
  }
  func.func @transform_0(%arg0: i32) -> (i32, i32) {
    %c0_i32 = arith.constant 0 : i32
    %c0_i32_0 = arith.constant 0 : i32
    return %c0_i32, %arg0 : i32, i32
  }
  func.func @transform_1(%arg0: i32) -> (i32, i32) {
    %c0_i32 = arith.constant 0 : i32
    %c0_i32_0 = arith.constant 0 : i32
    %c0_i32_1 = arith.constant 0 : i32
    return %c0_i32, %c0_i32_0 : i32, i32
  }
  func.func @transform_2(%arg0: i32) -> (i32, i32) {
    %c0_i32 = arith.constant 0 : i32
    %c0_i32_0 = arith.constant 0 : i32
    return %arg0, %c0_i32 : i32, i32
  }
  func.func @transform_3(%arg0: i32) -> (i32, i32) {
    %c0_i32 = arith.constant 0 : i32
    %c0_i32_0 = arith.constant 0 : i32
    return %arg0, %c0_i32 : i32, i32
  }
}

module attributes {stable_mosaic.version = 14 : i64} {
  func.func @_mid_body(%arg0: i32, %arg1: memref<2048x16xf32, #tpu.memory_space<vmem>>, %arg2: memref<2048x16xf32, #tpu.memory_space<vmem>>, %arg3: memref<2048x16xf32, #tpu.memory_space<vmem>>, %arg4: memref<2048x2xf32, #tpu.memory_space<vmem>>, %arg5: memref<1x16xf32, #tpu.memory_space<vmem>>, %arg6: memref<16x8xf32, #tpu.memory_space<vmem>>, %arg7: memref<2048x8xf32, #tpu.memory_space<vmem>>) attributes {dimension_semantics = [#tpu.dimension_semantics<arbitrary>], iteration_bounds = array<i64: 25>, scalar_prefetch = 0 : i64, scratch_operands = 0 : i64, tpu.core_type = #tpu.core_type<tc>, window_params = [{transform_indices = @transform_0, window_bounds = array<i64: 2048, 16>}, {transform_indices = @transform_1, window_bounds = array<i64: 2048, 16>}, {transform_indices = @transform_2, window_bounds = array<i64: 2048, 16>}, {transform_indices = @transform_3, window_bounds = array<i64: 2048, 2>}, {pipeline_mode = #tpu.pipeline_mode<synchronous>, transform_indices = @transform_4, window_bounds = array<i64: 1, 16>}, {pipeline_mode = #tpu.pipeline_mode<synchronous>, transform_indices = @transform_5, window_bounds = array<i64: 16, 8>}, {transform_indices = @transform_6, window_bounds = array<i64: 2048, 8>}]} {
    %get3A = arith.constant 0 : index
    %get3A_0 = arith.constant 0 : index
    %get3A_1 = vector.load %arg4[%get3A, %get3A_0] : memref<2048x2xf32, #tpu.memory_space<vmem>>, vector<2048x2xf32>
    %slice3A = vector.extract_strided_slice %get3A_1 {offsets = [0, 0], sizes = [2048, 1], strides = [1, 1]} : vector<2048x2xf32> to vector<2048x1xf32>
    %squeeze3A = vector.shape_cast %slice3A : vector<2048x1xf32> to vector<2048xf32>
    %slice3A_2 = vector.extract_strided_slice %get3A_1 {offsets = [0, 1], sizes = [2048, 1], strides = [1, 1]} : vector<2048x2xf32> to vector<2048x1xf32>
    %squeeze3A_3 = vector.shape_cast %slice3A_2 : vector<2048x1xf32> to vector<2048xf32>
    %add3A = arith.addf %squeeze3A, %squeeze3A_3 : vector<2048xf32>
    %add3A_4 = arith.constant 1.000000e+00 : f32
    %add3A_5 = vector.broadcast %add3A_4 : f32 to vector<2048xf32>
    %add3A_6 = arith.addf %add3A, %add3A_5 : vector<2048xf32>
    %rsqrt3A = math.rsqrt %add3A_6 : vector<2048xf32>
    %broadcast_in_dim3A = vector.shape_cast %rsqrt3A : vector<2048xf32> to vector<2048x1xf32>
    %get3A_7 = arith.constant 0 : index
    %get3A_8 = arith.constant 0 : index
    %get3A_9 = vector.load %arg1[%get3A_7, %get3A_8] : memref<2048x16xf32, #tpu.memory_space<vmem>>, vector<2048x16xf32>
    %get3A_10 = arith.constant 0 : index
    %get3A_11 = arith.constant 0 : index
    %get3A_12 = vector.load %arg2[%get3A_10, %get3A_11] : memref<2048x16xf32, #tpu.memory_space<vmem>>, vector<2048x16xf32>
    %add3A_13 = arith.addf %get3A_9, %get3A_12 : vector<2048x16xf32>
    %get3A_14 = arith.constant 0 : index
    %get3A_15 = arith.constant 0 : index
    %get3A_16 = vector.load %arg3[%get3A_14, %get3A_15] : memref<2048x16xf32, #tpu.memory_space<vmem>>, vector<2048x16xf32>
    %add3A_17 = arith.addf %add3A_13, %get3A_16 : vector<2048x16xf32>
    %mul3A = vector.broadcast %broadcast_in_dim3A : vector<2048x1xf32> to vector<2048x16xf32>
    %mul3A_18 = arith.mulf %mul3A, %add3A_17 : vector<2048x16xf32>
    %get3A_19 = arith.constant 0 : index
    %get3A_20 = arith.constant 0 : index
    %get3A_21 = vector.load %arg5[%get3A_19, %get3A_20] : memref<1x16xf32, #tpu.memory_space<vmem>>, vector<1x16xf32>
    %add3A_22 = vector.broadcast %get3A_21 : vector<1x16xf32> to vector<2048x16xf32>
    %add3A_23 = arith.addf %mul3A_18, %add3A_22 : vector<2048x16xf32>
    %max3A = arith.constant 0.000000e+00 : f32
    %max3A_24 = vector.broadcast %max3A : f32 to vector<2048x16xf32>
    %max3A_25 = arith.maximumf %add3A_23, %max3A_24 : vector<2048x16xf32>
    %get3A_26 = arith.constant 0 : index
    %get3A_27 = arith.constant 0 : index
    %get3A_28 = vector.load %arg6[%get3A_26, %get3A_27] : memref<16x8xf32, #tpu.memory_space<vmem>>, vector<16x8xf32>
    %dot_general3A = arith.constant dense<0.000000e+00> : vector<2048x8xf32>
    %dot_general3A_29 = tpu.matmul %max3A_25, %get3A_28, %dot_general3A {dimension_numbers = #tpu.dot_dimension_numbers<[1], [0], [0], [1], [0, 0, 1, 1], [], []>, transpose_lhs_hint = false} : vector<2048x16xf32>, vector<16x8xf32>, vector<2048x8xf32> -> vector<2048x8xf32>
    %broadcast_in_dim3A_30 = vector.shape_cast %rsqrt3A : vector<2048xf32> to vector<2048x1xf32>
    %mul3A_31 = vector.broadcast %broadcast_in_dim3A_30 : vector<2048x1xf32> to vector<2048x8xf32>
    %mul3A_32 = arith.mulf %dot_general3A_29, %mul3A_31 : vector<2048x8xf32>
    %swap3A = arith.constant 0 : index
    %swap3A_33 = arith.constant 0 : index
    %swap3A_34 = vector.load %arg7[%swap3A, %swap3A_33] : memref<2048x8xf32, #tpu.memory_space<vmem>>, vector<2048x8xf32>
    tpu.vector_store %arg7[%swap3A, %swap3A_33], %mul3A_32 {strides = array<i32>} : memref<2048x8xf32, #tpu.memory_space<vmem>>, vector<2048x8xf32>,
    return
  }
  func.func @transform_0(%arg0: i32) -> (i32, i32) {
    %c0_i32 = arith.constant 0 : i32
    %c0_i32_0 = arith.constant 0 : i32
    return %arg0, %c0_i32 : i32, i32
  }
  func.func @transform_1(%arg0: i32) -> (i32, i32) {
    %c0_i32 = arith.constant 0 : i32
    %c0_i32_0 = arith.constant 0 : i32
    return %arg0, %c0_i32 : i32, i32
  }
  func.func @transform_2(%arg0: i32) -> (i32, i32) {
    %c0_i32 = arith.constant 0 : i32
    %c0_i32_0 = arith.constant 0 : i32
    return %arg0, %c0_i32 : i32, i32
  }
  func.func @transform_3(%arg0: i32) -> (i32, i32) {
    %c0_i32 = arith.constant 0 : i32
    %c0_i32_0 = arith.constant 0 : i32
    return %arg0, %c0_i32 : i32, i32
  }
  func.func @transform_4(%arg0: i32) -> (i32, i32) {
    %c0_i32 = arith.constant 0 : i32
    %c0_i32_0 = arith.constant 0 : i32
    %c0_i32_1 = arith.constant 0 : i32
    return %c0_i32, %c0_i32_0 : i32, i32
  }
  func.func @transform_5(%arg0: i32) -> (i32, i32) {
    %c0_i32 = arith.constant 0 : i32
    %c0_i32_0 = arith.constant 0 : i32
    %c0_i32_1 = arith.constant 0 : i32
    return %c0_i32, %c0_i32_0 : i32, i32
  }
  func.func @transform_6(%arg0: i32) -> (i32, i32) {
    %c0_i32 = arith.constant 0 : i32
    %c0_i32_0 = arith.constant 0 : i32
    return %arg0, %c0_i32 : i32, i32
  }
}

module attributes {stable_mosaic.version = 14 : i64} {
  func.func @_fin_body(%arg0: i32, %arg1: memref<2048x8xf32, #tpu.memory_space<vmem>>, %arg2: memref<2048x8xf32, #tpu.memory_space<vmem>>, %arg3: memref<2048x8xf32, #tpu.memory_space<vmem>>, %arg4: memref<2048x2xf32, #tpu.memory_space<vmem>>, %arg5: memref<1x8xf32, #tpu.memory_space<vmem>>, %arg6: memref<2048x1xi32, #tpu.memory_space<vmem>>, %arg7: memref<2048x7xf32, #tpu.memory_space<vmem>>, %arg8: memref<7x64xf32, #tpu.memory_space<vmem>>) attributes {dimension_semantics = [#tpu.dimension_semantics<arbitrary>], iteration_bounds = array<i64: 25>, scalar_prefetch = 0 : i64, scratch_operands = 0 : i64, tpu.core_type = #tpu.core_type<tc>, window_params = [{transform_indices = @transform_0, window_bounds = array<i64: 2048, 8>}, {transform_indices = @transform_1, window_bounds = array<i64: 2048, 8>}, {transform_indices = @transform_2, window_bounds = array<i64: 2048, 8>}, {transform_indices = @transform_3, window_bounds = array<i64: 2048, 2>}, {pipeline_mode = #tpu.pipeline_mode<synchronous>, transform_indices = @transform_4, window_bounds = array<i64: 1, 8>}, {transform_indices = @transform_5, window_bounds = array<i64: 2048, 1>}, {transform_indices = @transform_6, window_bounds = array<i64: 2048, 7>}, {pipeline_mode = #tpu.pipeline_mode<synchronous>, transform_indices = @transform_7, window_bounds = array<i64: 7, 64>}]} {
    %get3A = arith.constant 0 : index
    %get3A_0 = arith.constant 0 : index
    %get3A_1 = vector.load %arg4[%get3A, %get3A_0] : memref<2048x2xf32, #tpu.memory_space<vmem>>, vector<2048x2xf32>
    %slice3A = vector.extract_strided_slice %get3A_1 {offsets = [0, 0], sizes = [2048, 1], strides = [1, 1]} : vector<2048x2xf32> to vector<2048x1xf32>
    %squeeze3A = vector.shape_cast %slice3A : vector<2048x1xf32> to vector<2048xf32>
    %slice3A_2 = vector.extract_strided_slice %get3A_1 {offsets = [0, 1], sizes = [2048, 1], strides = [1, 1]} : vector<2048x2xf32> to vector<2048x1xf32>
    %squeeze3A_3 = vector.shape_cast %slice3A_2 : vector<2048x1xf32> to vector<2048xf32>
    %add3A = arith.addf %squeeze3A, %squeeze3A_3 : vector<2048xf32>
    %add3A_4 = arith.constant 1.000000e+00 : f32
    %add3A_5 = vector.broadcast %add3A_4 : f32 to vector<2048xf32>
    %add3A_6 = arith.addf %add3A, %add3A_5 : vector<2048xf32>
    %rsqrt3A = math.rsqrt %add3A_6 : vector<2048xf32>
    %broadcast_in_dim3A = vector.shape_cast %rsqrt3A : vector<2048xf32> to vector<2048x1xf32>
    %get3A_7 = arith.constant 0 : index
    %get3A_8 = arith.constant 0 : index
    %get3A_9 = vector.load %arg1[%get3A_7, %get3A_8] : memref<2048x8xf32, #tpu.memory_space<vmem>>, vector<2048x8xf32>
    %get3A_10 = arith.constant 0 : index
    %get3A_11 = arith.constant 0 : index
    %get3A_12 = vector.load %arg2[%get3A_10, %get3A_11] : memref<2048x8xf32, #tpu.memory_space<vmem>>, vector<2048x8xf32>
    %add3A_13 = arith.addf %get3A_9, %get3A_12 : vector<2048x8xf32>
    %get3A_14 = arith.constant 0 : index
    %get3A_15 = arith.constant 0 : index
    %get3A_16 = vector.load %arg3[%get3A_14, %get3A_15] : memref<2048x8xf32, #tpu.memory_space<vmem>>, vector<2048x8xf32>
    %add3A_17 = arith.addf %add3A_13, %get3A_16 : vector<2048x8xf32>
    %mul3A = vector.broadcast %broadcast_in_dim3A : vector<2048x1xf32> to vector<2048x8xf32>
    %mul3A_18 = arith.mulf %mul3A, %add3A_17 : vector<2048x8xf32>
    %get3A_19 = arith.constant 0 : index
    %get3A_20 = arith.constant 0 : index
    %get3A_21 = vector.load %arg5[%get3A_19, %get3A_20] : memref<1x8xf32, #tpu.memory_space<vmem>>, vector<1x8xf32>
    %add3A_22 = vector.broadcast %get3A_21 : vector<1x8xf32> to vector<2048x8xf32>
    %add3A_23 = arith.addf %mul3A_18, %add3A_22 : vector<2048x8xf32>
    %iota3A = tpu.iota {dimensions = array<i32: 1>} : vector<2048x8xi32>
    %lt3A = arith.constant 7 : i32
    %lt3A_24 = vector.broadcast %lt3A : i32 to vector<2048x8xi32>
    %lt3A_25 = arith.cmpi slt, %iota3A, %lt3A_24 : vector<2048x8xi32>
    %jit3A = arith.constant 0xFF800000 : f32
    %broadcast_in_dim3A_26 = vector.broadcast %jit3A : f32 to vector<2048x8xf32>
    %select_n3A = arith.select %lt3A_25, %add3A_23, %broadcast_in_dim3A_26 : vector<2048x8xi1>, vector<2048x8xf32>
    %reduce_max3A = arith.constant dense<0xFF800000> : vector<2048xf32>
    %reduce_max3A_27 = vector.multi_reduction <maximumf>, %select_n3A, %reduce_max3A [1] : vector<2048x8xf32> to vector<2048xf32>
    %broadcast_in_dim3A_28 = vector.shape_cast %reduce_max3A_27 : vector<2048xf32> to vector<2048x1xf32>
    %sub3A = vector.broadcast %broadcast_in_dim3A_28 : vector<2048x1xf32> to vector<2048x8xf32>
    %sub3A_29 = arith.subf %add3A_23, %sub3A : vector<2048x8xf32>
    %exp3A = math.exp %sub3A_29 : vector<2048x8xf32>
    %jit3A_30 = arith.constant 0.000000e+00 : f32
    %broadcast_in_dim3A_31 = vector.broadcast %jit3A_30 : f32 to vector<2048x8xf32>
    %select_n3A_32 = arith.select %lt3A_25, %exp3A, %broadcast_in_dim3A_31 : vector<2048x8xi1>, vector<2048x8xf32>
    %reduce_sum3A = arith.constant dense<0.000000e+00> : vector<2048xf32>
    %reduce_sum3A_33 = vector.multi_reduction <add>, %select_n3A_32, %reduce_sum3A [1] : vector<2048x8xf32> to vector<2048xf32>
    %broadcast_in_dim3A_34 = vector.shape_cast %reduce_sum3A_33 : vector<2048xf32> to vector<2048x1xf32>
    %log3A = math.log %broadcast_in_dim3A_34 : vector<2048x1xf32>
    %add3A_35 = arith.addf %log3A, %broadcast_in_dim3A_28 : vector<2048x1xf32>
    %sub3A_36 = vector.broadcast %add3A_35 : vector<2048x1xf32> to vector<2048x8xf32>
    %sub3A_37 = arith.subf %add3A_23, %sub3A_36 : vector<2048x8xf32>
    %slice3A_38 = vector.extract_strided_slice %sub3A_37 {offsets = [0, 0], sizes = [2048, 7], strides = [1, 1]} : vector<2048x8xf32> to vector<2048x7xf32>
    %swap3A = arith.constant 0 : index
    %swap3A_39 = arith.constant 0 : index
    %swap3A_40 = vector.load %arg7[%swap3A, %swap3A_39] : memref<2048x7xf32, #tpu.memory_space<vmem>>, vector<2048x7xf32>
    tpu.vector_store %arg7[%swap3A, %swap3A_39], %slice3A_38 {strides = array<i32>} : memref<2048x7xf32, #tpu.memory_space<vmem>>, vector<2048x7xf32>,
    %get3A_41 = arith.constant 0 : index
    %get3A_42 = arith.constant 0 : index
    %get3A_43 = vector.load %arg6[%get3A_41, %get3A_42] : memref<2048x1xi32, #tpu.memory_space<vmem>>, vector<2048x1xi32>
    %iota3A_44 = tpu.iota {dimensions = array<i32: 1>} : vector<2048x64xi32>
    %iota3A_45 = tpu.iota {dimensions = array<i32: 0>} : vector<2048x64xi32>
    %eq3A = vector.broadcast %get3A_43 : vector<2048x1xi32> to vector<2048x64xi32>
    %eq3A_46 = arith.cmpi eq, %eq3A, %iota3A_44 : vector<2048x64xi32>
    %mul3A_47 = arith.constant 2048 : i32
    %mul3A_48 = arith.muli %arg0, %mul3A_47 : i32
    %add3A_49 = vector.broadcast %mul3A_48 : i32 to vector<2048x64xi32>
    %add3A_50 = arith.addi %iota3A_45, %add3A_49 : vector<2048x64xi32>
    %lt3A_51 = arith.constant 50000 : i32
    %lt3A_52 = vector.broadcast %lt3A_51 : i32 to vector<2048x64xi32>
    %lt3A_53 = arith.cmpi slt, %add3A_50, %lt3A_52 : vector<2048x64xi32>
    %and3A = arith.andi %eq3A_46, %lt3A_53 : vector<2048x64xi1>
    %eq3A_54 = arith.constant 0 : i32
    %eq3A_55 = arith.cmpi eq, %arg0, %eq3A_54 : i32
    %convert_element_type3A = arith.extui %eq3A_55 : i1 to i32
    %cond3A = arith.constant 0xFF800000 : f32
    %cond3A_56 = arith.constant 0 : i32
    %cond3A_57 = arith.cmpi ne, %convert_element_type3A, %cond3A_56 : i32
    scf.if %cond3A_57 {
      %broadcast_in_dim3A_127 = vector.broadcast %cond3A : f32 to vector<7x64xf32>
      %swap3A_128 = arith.constant 0 : index
      %swap3A_129 = arith.constant 0 : index
      %swap3A_130 = vector.load %arg8[%swap3A_128, %swap3A_129] : memref<7x64xf32, #tpu.memory_space<vmem>>, vector<7x64xf32>
      tpu.vector_store %arg8[%swap3A_128, %swap3A_129], %broadcast_in_dim3A_127 {strides = array<i32>} : memref<7x64xf32, #tpu.memory_space<vmem>>, vector<7x64xf32>,
    } else {
    }
    %slice3A_58 = vector.extract_strided_slice %add3A_23 {offsets = [0, 0], sizes = [2048, 1], strides = [1, 1]} : vector<2048x8xf32> to vector<2048x1xf32>
    %jit3A_59 = arith.constant 0xFF800000 : f32
    %broadcast_in_dim3A_60 = vector.shape_cast %slice3A_58 : vector<2048x1xf32> to vector<2048x1xf32>
    %broadcast_in_dim3A_61 = vector.broadcast %broadcast_in_dim3A_60 : vector<2048x1xf32> to vector<2048x64xf32>
    %broadcast_in_dim3A_62 = vector.broadcast %jit3A_59 : f32 to vector<2048x64xf32>
    %select_n3A_63 = arith.select %and3A, %broadcast_in_dim3A_61, %broadcast_in_dim3A_62 : vector<2048x64xi1>, vector<2048x64xf32>
    %reduce_max3A_64 = arith.constant dense<0xFF800000> : vector<64xf32>
    %reduce_max3A_65 = vector.multi_reduction <maximumf>, %select_n3A_63, %reduce_max3A_64 [0] : vector<2048x64xf32> to vector<64xf32>
    %broadcast_in_dim3A_66 = vector.shape_cast %reduce_max3A_65 : vector<64xf32> to vector<1x64xf32>
    %slice3A_67 = vector.extract_strided_slice %add3A_23 {offsets = [0, 1], sizes = [2048, 1], strides = [1, 1]} : vector<2048x8xf32> to vector<2048x1xf32>
    %jit3A_68 = arith.constant 0xFF800000 : f32
    %broadcast_in_dim3A_69 = vector.shape_cast %slice3A_67 : vector<2048x1xf32> to vector<2048x1xf32>
    %broadcast_in_dim3A_70 = vector.broadcast %broadcast_in_dim3A_69 : vector<2048x1xf32> to vector<2048x64xf32>
    %broadcast_in_dim3A_71 = vector.broadcast %jit3A_68 : f32 to vector<2048x64xf32>
    %select_n3A_72 = arith.select %and3A, %broadcast_in_dim3A_70, %broadcast_in_dim3A_71 : vector<2048x64xi1>, vector<2048x64xf32>
    %reduce_max3A_73 = arith.constant dense<0xFF800000> : vector<64xf32>
    %reduce_max3A_74 = vector.multi_reduction <maximumf>, %select_n3A_72, %reduce_max3A_73 [0] : vector<2048x64xf32> to vector<64xf32>
    %broadcast_in_dim3A_75 = vector.shape_cast %reduce_max3A_74 : vector<64xf32> to vector<1x64xf32>
    %slice3A_76 = vector.extract_strided_slice %add3A_23 {offsets = [0, 2], sizes = [2048, 1], strides = [1, 1]} : vector<2048x8xf32> to vector<2048x1xf32>
    %jit3A_77 = arith.constant 0xFF800000 : f32
    %broadcast_in_dim3A_78 = vector.shape_cast %slice3A_76 : vector<2048x1xf32> to vector<2048x1xf32>
    %broadcast_in_dim3A_79 = vector.broadcast %broadcast_in_dim3A_78 : vector<2048x1xf32> to vector<2048x64xf32>
    %broadcast_in_dim3A_80 = vector.broadcast %jit3A_77 : f32 to vector<2048x64xf32>
    %select_n3A_81 = arith.select %and3A, %broadcast_in_dim3A_79, %broadcast_in_dim3A_80 : vector<2048x64xi1>, vector<2048x64xf32>
    %reduce_max3A_82 = arith.constant dense<0xFF800000> : vector<64xf32>
    %reduce_max3A_83 = vector.multi_reduction <maximumf>, %select_n3A_81, %reduce_max3A_82 [0] : vector<2048x64xf32> to vector<64xf32>
    %broadcast_in_dim3A_84 = vector.shape_cast %reduce_max3A_83 : vector<64xf32> to vector<1x64xf32>
    %slice3A_85 = vector.extract_strided_slice %add3A_23 {offsets = [0, 3], sizes = [2048, 1], strides = [1, 1]} : vector<2048x8xf32> to vector<2048x1xf32>
    %jit3A_86 = arith.constant 0xFF800000 : f32
    %broadcast_in_dim3A_87 = vector.shape_cast %slice3A_85 : vector<2048x1xf32> to vector<2048x1xf32>
    %broadcast_in_dim3A_88 = vector.broadcast %broadcast_in_dim3A_87 : vector<2048x1xf32> to vector<2048x64xf32>
    %broadcast_in_dim3A_89 = vector.broadcast %jit3A_86 : f32 to vector<2048x64xf32>
    %select_n3A_90 = arith.select %and3A, %broadcast_in_dim3A_88, %broadcast_in_dim3A_89 : vector<2048x64xi1>, vector<2048x64xf32>
    %reduce_max3A_91 = arith.constant dense<0xFF800000> : vector<64xf32>
    %reduce_max3A_92 = vector.multi_reduction <maximumf>, %select_n3A_90, %reduce_max3A_91 [0] : vector<2048x64xf32> to vector<64xf32>
    %broadcast_in_dim3A_93 = vector.shape_cast %reduce_max3A_92 : vector<64xf32> to vector<1x64xf32>
    %slice3A_94 = vector.extract_strided_slice %add3A_23 {offsets = [0, 4], sizes = [2048, 1], strides = [1, 1]} : vector<2048x8xf32> to vector<2048x1xf32>
    %jit3A_95 = arith.constant 0xFF800000 : f32
    %broadcast_in_dim3A_96 = vector.shape_cast %slice3A_94 : vector<2048x1xf32> to vector<2048x1xf32>
    %broadcast_in_dim3A_97 = vector.broadcast %broadcast_in_dim3A_96 : vector<2048x1xf32> to vector<2048x64xf32>
    %broadcast_in_dim3A_98 = vector.broadcast %jit3A_95 : f32 to vector<2048x64xf32>
    %select_n3A_99 = arith.select %and3A, %broadcast_in_dim3A_97, %broadcast_in_dim3A_98 : vector<2048x64xi1>, vector<2048x64xf32>
    %reduce_max3A_100 = arith.constant dense<0xFF800000> : vector<64xf32>
    %reduce_max3A_101 = vector.multi_reduction <maximumf>, %select_n3A_99, %reduce_max3A_100 [0] : vector<2048x64xf32> to vector<64xf32>
    %broadcast_in_dim3A_102 = vector.shape_cast %reduce_max3A_101 : vector<64xf32> to vector<1x64xf32>
    %slice3A_103 = vector.extract_strided_slice %add3A_23 {offsets = [0, 5], sizes = [2048, 1], strides = [1, 1]} : vector<2048x8xf32> to vector<2048x1xf32>
    %jit3A_104 = arith.constant 0xFF800000 : f32
    %broadcast_in_dim3A_105 = vector.shape_cast %slice3A_103 : vector<2048x1xf32> to vector<2048x1xf32>
    %broadcast_in_dim3A_106 = vector.broadcast %broadcast_in_dim3A_105 : vector<2048x1xf32> to vector<2048x64xf32>
    %broadcast_in_dim3A_107 = vector.broadcast %jit3A_104 : f32 to vector<2048x64xf32>
    %select_n3A_108 = arith.select %and3A, %broadcast_in_dim3A_106, %broadcast_in_dim3A_107 : vector<2048x64xi1>, vector<2048x64xf32>
    %reduce_max3A_109 = arith.constant dense<0xFF800000> : vector<64xf32>
    %reduce_max3A_110 = vector.multi_reduction <maximumf>, %select_n3A_108, %reduce_max3A_109 [0] : vector<2048x64xf32> to vector<64xf32>
    %broadcast_in_dim3A_111 = vector.shape_cast %reduce_max3A_110 : vector<64xf32> to vector<1x64xf32>
    %slice3A_112 = vector.extract_strided_slice %add3A_23 {offsets = [0, 6], sizes = [2048, 1], strides = [1, 1]} : vector<2048x8xf32> to vector<2048x1xf32>
    %jit3A_113 = arith.constant 0xFF800000 : f32
    %broadcast_in_dim3A_114 = vector.shape_cast %slice3A_112 : vector<2048x1xf32> to vector<2048x1xf32>
    %broadcast_in_dim3A_115 = vector.broadcast %broadcast_in_dim3A_114 : vector<2048x1xf32> to vector<2048x64xf32>
    %broadcast_in_dim3A_116 = vector.broadcast %jit3A_113 : f32 to vector<2048x64xf32>
    %select_n3A_117 = arith.select %and3A, %broadcast_in_dim3A_115, %broadcast_in_dim3A_116 : vector<2048x64xi1>, vector<2048x64xf32>
    %reduce_max3A_118 = arith.constant dense<0xFF800000> : vector<64xf32>
    %reduce_max3A_119 = vector.multi_reduction <maximumf>, %select_n3A_117, %reduce_max3A_118 [0] : vector<2048x64xf32> to vector<64xf32>
    %broadcast_in_dim3A_120 = vector.shape_cast %reduce_max3A_119 : vector<64xf32> to vector<1x64xf32>
    %get3A_121 = arith.constant 0 : index
    %get3A_122 = arith.constant 0 : index
    %get3A_123 = vector.load %arg8[%get3A_121, %get3A_122] : memref<7x64xf32, #tpu.memory_space<vmem>>, vector<7x64xf32>
    %concatenate3A = tpu.concatenate %broadcast_in_dim3A_66, %broadcast_in_dim3A_75, %broadcast_in_dim3A_84, %broadcast_in_dim3A_93, %broadcast_in_dim3A_102, %broadcast_in_dim3A_111, %broadcast_in_dim3A_120 in 0 : vector<1x64xf32>, vector<1x64xf32>, vector<1x64xf32>, vector<1x64xf32>, vector<1x64xf32>, vector<1x64xf32>, vector<1x64xf32> -> vector<7x64xf32>
    %max3A = arith.maximumf %get3A_123, %concatenate3A : vector<7x64xf32>
    %swap3A_124 = arith.constant 0 : index
    %swap3A_125 = arith.constant 0 : index
    %swap3A_126 = vector.load %arg8[%swap3A_124, %swap3A_125] : memref<7x64xf32, #tpu.memory_space<vmem>>, vector<7x64xf32>
    tpu.vector_store %arg8[%swap3A_124, %swap3A_125], %max3A {strides = array<i32>} : memref<7x64xf32, #tpu.memory_space<vmem>>, vector<7x64xf32>,
    return
  }
  func.func @transform_0(%arg0: i32) -> (i32, i32) {
    %c0_i32 = arith.constant 0 : i32
    %c0_i32_0 = arith.constant 0 : i32
    return %arg0, %c0_i32 : i32, i32
  }
  func.func @transform_1(%arg0: i32) -> (i32, i32) {
    %c0_i32 = arith.constant 0 : i32
    %c0_i32_0 = arith.constant 0 : i32
    return %arg0, %c0_i32 : i32, i32
  }
  func.func @transform_2(%arg0: i32) -> (i32, i32) {
    %c0_i32 = arith.constant 0 : i32
    %c0_i32_0 = arith.constant 0 : i32
    return %arg0, %c0_i32 : i32, i32
  }
  func.func @transform_3(%arg0: i32) -> (i32, i32) {
    %c0_i32 = arith.constant 0 : i32
    %c0_i32_0 = arith.constant 0 : i32
    return %arg0, %c0_i32 : i32, i32
  }
  func.func @transform_4(%arg0: i32) -> (i32, i32) {
    %c0_i32 = arith.constant 0 : i32
    %c0_i32_0 = arith.constant 0 : i32
    %c0_i32_1 = arith.constant 0 : i32
    return %c0_i32, %c0_i32_0 : i32, i32
  }
  func.func @transform_5(%arg0: i32) -> (i32, i32) {
    %c0_i32 = arith.constant 0 : i32
    %c0_i32_0 = arith.constant 0 : i32
    return %arg0, %c0_i32 : i32, i32
  }
  func.func @transform_6(%arg0: i32) -> (i32, i32) {
    %c0_i32 = arith.constant 0 : i32
    %c0_i32_0 = arith.constant 0 : i32
    return %arg0, %c0_i32 : i32, i32
  }
  func.func @transform_7(%arg0: i32) -> (i32, i32) {
    %c0_i32 = arith.constant 0 : i32
    %c0_i32_0 = arith.constant 0 : i32
    %c0_i32_1 = arith.constant 0 : i32
    return %c0_i32, %c0_i32_0 : i32, i32
  }
}

</mosaic_0001>

<sc_bundles>
// kernel: kernel.11.cloned.1.call-start
scs
__scs_entry_jumppad:
0x0: {  	(pc) =	sbr.rel $0x88, $3  }
0x1: {  	(tag) =	ssettag $0x0;
	lr =	simm.s32 $0x1  }
0x2: {  	[smem:$0x3F9A] =	sst lr;
	_ =	strace $0xD0000000  }
0x3: {  	_ = 	snop  }
0x4: {  	_ = 	snop  }
0x5: {  	_ = 	snop  }
0x6: {  	_ = 	snop  }
0x7: {  	_ = 	snop  }
__scs_overlays_trampoline_lowered:
0x8: {  	[smem:$0x3FA9] =	sst s0  }
0x9: {  	[smem:$0x3FAA] =	sst s1  }
0xa: {  	[smem:$0x3FAB] =	sst s2  }
0xb: {  	[smem:$0x3FAC] =	sst s3  }
0xc: {  	[smem:$0x3FAD] =	sst s4  }
0xd: {  	[smem:$0x3FAE] =	sst s5  }
0xe: {  	[smem:$0x3FAF] =	sst s6  }
0xf: {  	[smem:$0x3FB0] =	sst s7  }
0x10: {  	[smem:$0x3FB1] =	sst s8  }
0x11: {  	[smem:$0x3FB2] =	sst s9;
	s0 =	simm.s32 @!p0 $0x0  }
0x12: {  	s1 =	sld [smem:$0x3F98];
	s0 =	simm.s32 @p0 $0x1  }
0x13: {  	[smem:$0x3FB3] =	sst s0;
	s0 =	simm.s32 @!p1 $0x0  }
0x14: {  	s2 =	sld [smem:$0x3F97];
	s0 =	simm.s32 @p1 $0x1  }
0x15: {  	[smem:$0x3FB4] =	sst s0;
	s0 =	simm.s32 @!p2 $0x0  }
0x16: {  	s3 =	sld [smem:$0x3FDB];
	s0 =	simm.s32 @p2 $0x1  }
0x17: {  	s4 =	simm.s32 $0x1BF5;
	[smem:$0x3FB6] =	sst s0  }
0x18: {  	s0 =	sld [smem:$0x3F99];
	_ =	swait.ge [sflag:s4], $0x0  }
0x19: {  	s7 =	sld [smem:$0x3F9A]  }
0x1a: {  	s8 =	sadd.s32 $0xFFFFE003, lr  }
0x1b: {  	s9 =	sadd.s32 $0xFFFFFEF7, lr;
	s5 =	simm.s32 $0xFFFFFFFF;
	p2 =	slt.u32 s8, $0xFFFFF086  }
0x1c: {  	p1 =	slt.u32 s9, $0xF7A;
	s5 =	simm.s32 @!p2 $0x0  }
0x1d: {  	s5 =	simm.s32 @p1 $0x1;
	p0 =	seq.s32 s7, s2  }
0x1e: {  	s7 =	smul.u32 @!p0 $0xF7A, s2;
	p2 =	seq.s32 @!p0 s5, $0x0  }
0x1f: {  	s9 =	smul.u32 $0xF7A, s1;
	s8 =	simm.s32 @!p0 $0x1BF5;
	p2 =	por !p2, p0  }
0x20: {  	[sflag:s8] =	ssyncset.s32 @!p0 $0xFFFFF086;
	s6 =	sadd.s32 @!p0 s3, s7;
	s7 =	simm.s32 @!p0 $0x108  }
0x21: {  	s3 =	sadd.s32 s3, s9;
	s6 =	sadd.s32 @!p0 $0x88, s6;
	s7 =	simm.s32 @p2 $0x1082  }
0x22: {  	[simem:s7], [sflag:s8] =	dma.local @!p0 [hbm:s6], $0xF7A  }
0x23: {  	s9 =	sor.u32 $0xD0000000, s2;
	s6 =	simm.s32 $0x108;
	_ =	swait.ge @!p0 [sflag:s8], $0x0  }
0x24: {  	s3 =	sadd.s32 $0x88, s3;
	s6 =	simm.s32 @!p1 $0x1082;
	[sflag:s4] =	ssyncset.s32 $0xFFFFF086  }
0x25: {  	[simem:s6], [sflag:s4] =	dma.local [hbm:s3], $0xF7A  }
0x26: {  	[smem:$0x3F9A] =	sst s1;
	(tag) =	ssettag s2;
	_ =	strace s9  }
0x27: {  	s1 =	sld [smem:$0x3FAA]  }
0x28: {  	s2 =	sld [smem:$0x3FAB]  }
0x29: {  	s4 =	sld [smem:$0x3FAD]  }
0x2a: {  	p0 =	seq.s32 s5, $0x0;
	s5 =	sld [smem:$0x3FAE]  }
0x2b: {  	s6 =	sld [smem:$0x3FAF]  }
0x2c: {  	s7 =	sld [smem:$0x3FB0]  }
0x2d: {  	s3 =	simm.s32 $0x108;
	s8 =	sld [smem:$0x3FB1]  }
0x2e: {  	s3 =	simm.s32 @!p0 $0x1082;
	s9 =	sld [smem:$0x3FB2]  }
0x2f: {  	lr =	sadd.s32 s0, s3;
	s0 =	sld [smem:$0x3FA9]  }
0x30: {  	s3 =	sld [smem:$0x3FAC]  }
0x31: {  	[smem:$0x3FB5] =	sst s10  }
0x32: {  	s10 =	sld [smem:$0x3FB3];
	_ =	sdelay $0x3  }
0x33: {  	p0 =	seq.s32 s10, $0x1;
	s10 =	sld [smem:$0x3FB5];
	_ =	sdelay $0x3  }
0x34: {  	[smem:$0x3FB5] =	sst s10  }
0x35: {  	s10 =	sld [smem:$0x3FB4];
	_ =	sdelay $0x3  }
0x36: {  	p1 =	seq.s32 s10, $0x1;
	s10 =	sld [smem:$0x3FB5];
	_ =	sdelay $0x3  }
0x37: {  	[smem:$0x3FB5] =	sst s10  }
0x38: {  	s10 =	sld [smem:$0x3FB6]  }
0x39: {  	_ = 	snop;
	(pc) =	sbr.ind lr, $3  }
0x3a: {  	_ = 	snop  }
0x3b: {  	_ = 	snop  }
0x3c: {  	p2 =	seq.s32 s10, $0x1;
	s10 =	sld [smem:$0x3FB5]  }
0x3d: {  	_ =	shalt  }
0x3e: {  	_ =	shalt  }
0x3f: {  	_ =	shalt  }
0x40: {  	_ =	shalt  }
0x41: {  	_ =	shalt  }
0x42: {  	_ =	shalt  }
0x43: {  	_ =	shalt  }
0x44: {  	_ =	shalt  }
0x45: {  	_ =	shalt  }
0x46: {  	_ =	shalt  }
0x47: {  	_ =	shalt  }
0x48: {  	_ =	shalt  }
0x49: {  	_ =	shalt  }
0x4a: {  	_ =	shalt  }
0x4b: {  	_ =	shalt  }
0x4c: {  	_ =	shalt  }
0x4d: {  	_ =	shalt  }
0x4e: {  	_ =	shalt  }
0x4f: {  	_ =	shalt  }
0x50: {  	_ =	shalt  }
0x51: {  	_ =	shalt  }
0x52: {  	_ =	shalt  }
0x53: {  	_ =	shalt  }
0x54: {  	_ =	shalt  }
0x55: {  	_ =	shalt  }
0x56: {  	_ =	shalt  }
0x57: {  	_ =	shalt  }
0x58: {  	_ =	shalt  }
0x59: {  	_ =	shalt  }
0x5a: {  	_ =	shalt  }
0x5b: {  	_ =	shalt  }
0x5c: {  	_ =	shalt  }
0x5d: {  	_ =	shalt  }
0x5e: {  	_ =	shalt  }
0x5f: {  	_ =	shalt  }
0x60: {  	_ =	shalt  }
0x61: {  	_ =	shalt  }
0x62: {  	_ =	shalt  }
0x63: {  	_ =	shalt  }
0x64: {  	_ =	shalt  }
0x65: {  	_ =	shalt  }
0x66: {  	_ =	shalt  }
0x67: {  	_ =	shalt  }
0x68: {  	_ =	shalt  }
0x69: {  	_ =	shalt  }
0x6a: {  	_ =	shalt  }
0x6b: {  	_ =	shalt  }
0x6c: {  	_ =	shalt  }
0x6d: {  	_ =	shalt  }
0x6e: {  	_ =	shalt  }
0x6f: {  	_ =	shalt  }
0x70: {  	_ =	shalt  }
0x71: {  	_ =	shalt  }
0x72: {  	_ =	shalt  }
0x73: {  	_ =	shalt  }
0x74: {  	_ =	shalt  }
0x75: {  	_ =	shalt  }
0x76: {  	_ =	shalt  }
0x77: {  	_ =	shalt  }
0x78: {  	_ =	shalt  }
0x79: {  	_ =	shalt  }
0x7a: {  	_ =	shalt  }
0x7b: {  	_ =	shalt  }
0x7c: {  	_ =	shalt  }
0x7d: {  	_ =	shalt  }
0x7e: {  	_ =	shalt  }
0x7f: {  	_ =	shalt  }
0x80: {  	_ =	shalt  }
0x81: {  	_ =	shalt  }
0x82: {  	_ =	shalt  }
0x83: {  	_ =	shalt  }
0x84: {  	_ =	shalt  }
0x85: {  	_ =	shalt  }
0x86: {  	_ =	shalt  }
0x87: {  	_ =	shalt  }
.Lfunc_end0:
.L_simem_size_0:
called_computation.1_lowered:
.L_overlay_start_0:
0x88: {  	s2 =	sld [smem:$0x3FD9]  }
0x89: {  	s3 =	sld [smem:$0x3FFE];
	_ =	sdelay $0x1  }
0x8a: {  	s1 =	srdreg.scid  }
0x8b: {  	s0 =	sand.u32 $0x1, s1  }
0x8c: {  	s16 =	sshll.u32 s0, $0xA;
	s2 =	sadd.s32 s3, s2  }
0x8d: {  	s2 =	sadd.s32 s2, s16  }
0x8e: {  	[smem:$0x3FC1] =	sst s2  }
0x8f: {  	_ = 	snop  }
0x90: {  	(tm) =	ssettm $0x1  }
0x91: {  	s17 =	sld [smem:$0x3FFB];
	_ =	sdelay $0x3  }
0x92: {  	_ =	strace s17  }
0x93: {  	s2 =	sld [smem:$0x3FFC];
	_ =	sdelay $0x3  }
0x94: {  	_ =	strace s2  }
0x95: {  	s2 =	sld [smem:$0x3FFD];
	_ =	sdelay $0x3  }
0x96: {  	_ =	strace s2  }
0x97: {  	_ =	strace $0x8FFFFFFF  }
0x98: {  	s18 =	sld [smem:$0x3FDB];
	_ =	sdelay $0x1  }
0x99: {  	s19 =	simm.s32 $_scs_section_size  }
0x9a: {  	s4 =	simm.s32 $_size__tile_overlayer_lowered;
	s5 =	simm.s32 $_tile_overlayer_lowered  }
0x9b: {  	s22 =	simm.s32 $0x1BFF;
	s21 =	sshll.u32 s5, $0x1;
	s2 =	sadd.s32 s19, s18  }
0x9c: {  	s6 =	simm.s32 $0x0;
	s20 =	sshll.u32 s4, $0x1;
	s4 =	sadd.s32 s21, s2  }
0x9d: {  	[timem:s6], [sflag:s22] =	dma.local [hbm:s4], s20  }
0x9e: {  	_ =	swait.ge [sflag:s22], s20  }
0x9f: {  	s3 =	ssub.s32 $0x0, s20;
	[sflag:s22] =	ssyncset.done $0x0  }
0xa0: {  	[sflag:s22] =	ssyncadd.s32 s3;
	_ =	sdelay $0x1  }
0xa1: {  	s23 =	simm.s32 $0x1B8B  }
0xa2: {  	_ =	swait.ge [sflag:s23], $0x1  }
0xa3: {  	[sflag:s23] =	ssyncset.done $0x0  }
0xa4: {  	s25 =	simm.s32 $0x1B8E;
	s24 =	sld [smem:$0x3FFE];
	[sflag:s23] =	ssyncadd.s32 $0xFFFFFFFF  }
0xa5: {  	s26 =	simm.s32 $execute0_lowered;
	[smem:$0x3FD2] =	sst s25  }
0xa6: {  	s4 =	sshll.u32 s26, $0x1;
	_ =	strace $0x80000049;
	[dreg:$0x1] =	wrdreg $0xFFFFFFFF  }
0xa7: {  	s28 =	simm.s32 $_size_execute0_lowered;
	s2 =	sadd.s32 s2, s4;
	[dreg:$0x0] =	wrdreg $0x0  }
0xa8: {  	s4 =	sshll.u32 s28, $0x1;
	[dreg:$0x2] =	wrdreg s2  }
0xa9: {  	[dreg:$0x3] =	wrdreg s4  }
0xaa: {  	[dreg:$0x4] =	wrdreg $0xC0  }
0xab: {  	_ =	task [dreg:s6], $0x5FFFF  }
0xac: {  	[dreg:$0x1] =	wrdreg $0xFFFFFFFF  }
0xad: {  	[dreg:$0x0] =	wrdreg $0x60  }
0xae: {  	[dreg:$0x2] =	wrdreg s24  }
0xaf: {  	[dreg:$0x3] =	wrdreg $0xE0800  }
0xb0: {  	[dreg:$0x4] =	wrdreg $0x9  }
0xb1: {  	_ =	task.clear_ibuf [dreg:s6], $0x5FFFF;
	_ =	strace $0x90000049  }
0xb2: {  	s29 =	simm.s32 $0x9;
	_ =	strace $0x8000004B  }
0xb3: {  	_ =	swait.ge [sflag:s29], $0x1  }
0xb4: {  	[sflag:s29] =	ssyncadd.s32 $0xFFFFFFFF  }
0xb5: {  	_ =	strace $0x9000004B  }
0xb6: {  	_ =	sfence  }
0xb7: {  	s30 =	sld [smem:$0x0];
	_ =	sdelay $0x2  }
0xb8: {  	s31 =	sshll.u32 s1, $0xD;
	s1 =	sshrl.u32 s1, $0x2  }
0xb9: {  	s3 =	sand.u32 $0x4000, s31;
	s1 =	sadd.s32 s1, s30  }
0xba: {  	s0 =	sor.u32 s3, s0;
	s1 =	sshll.u32 s1, $0x11  }
0xbb: {  	s0 =	sor.u32 s1, s0  }
0xbc: {  	s0 =	sadd.s32 $0x8F2B, s0  }
0xbd: {  	[sflag:s0] =	ssyncadd.remote.s32 $0x1  }
0xbe: {  	_ =	sfence.sel $0xFFFF  }
0xbf: {  	[dreg:$0x0] =	wrdreg $0xFFFFFFFF;
	(pc) =	sbr.abs _section_cstart, $3  }
0xc0: {  	[dreg:$0x1] =	wrdreg $0xFFFFFFFF  }
0xc1: {  	_ =	task.clear_ibuf [dreg:s6], $0x2FFFF;
	_ =	strace $0x9FFFFFFF  }
0xc2: {  	(tm) =	ssettm $0x7FFFFFFF  }
0xc3: {  	_ =	shalt  }
tec
execute0_lowered:
.L_overlay_start_1:
0x0: {  	(tag) =	ssettag $0x1  }
0x1: {  	s6 =	rddreg [dreg:$0x0]  }
0x2: {  	s1 =	rddreg [dreg:$0x1]  }
0x3: {  	s2 =	srdreg.scid;
	s0 =	rddreg [dreg:$0x2]  }
0x4: {  	s3 =	simm.s32 $0x0;
	s13 =	simm.s32 $0x5;
	s14 =	simm.s32 $0x6400  }
0x5: {  	s15 =	simm.s32 $0x80;
	s16 =	simm.s32 $0xC800;
	s17 =	simm.s32 $0xD000  }
0x6: {  	s18 =	simm.s32 $0x1;
	s19 =	simm.s32 $0x2;
	s20 =	simm.s32 $0x3  }
0x7: {  	s21 =	simm.s32 $0x4;
	s22 =	simm.s32 $0xC700;
	s23 =	simm.s32 $0xC780  }
0x8: {  	s24 =	simm.s32 $0x0;
	s8 =	sand.u32 $0x1, s2;
	s2 =	stileid.u32  }
0x9: {  	[smem:$0x7FF] =	sst s3;
	s4 =	sshll.u32 s8, $0x4;
	s7 =	smul.u32 $0x1870, s2  }
0xa: {  	_ =	strace $0x8000004A;
	s30 =	smul.u32 $0x30E00, s2;
	s4 =	sor.u32 s2, s4  }
0xb: {  	s9 =	ssub.s32 $0x2, s8;
	p0 =	seq.s32 s8, $0x1;
	s5 =	smul.u32 $0xC80, s4  }
.Ltmp0:
0xc: {  	s11 =	sshrl.u32 s9, $0x1;
	s4 =	sadd.s32 $0x1BAC00, s6;
	(pc) =	sbr.rel .LBB2_1-.Ltmp0, $4  }
0xd: {  	s12 =	sadd.s32 s7, s6;
	s9 =	ssub.s32 s9, s11;
	s31 =	sshrl.u32 s30, $0x2  }
0xe: {  	s8 =	smax.u32 s9, $0x1;
	s9 =	sadd.s32 $0x204400, s12;
	s11 =	sadd.s32 $0x1EBC00, s12  }
0xf: {  	s12 =	simm.s32 $0xD800;
	s10 =	sadd.s32 s5, s6;
	s5 =	sadd.s32 $0x1D3400, s6  }
0x10: {  	s6 =	sadd.s32 $0x1AE00, s10;
	s7 =	sadd.s32 $0x1E00, s10;
	s10 =	sadd.s32 s31, s1  }
.LBB2_8:
0x11: {  	[sflag:s13] =	ssyncadd.s32 $0xFFFFF780  }
.LBB2_12:
0x12: {  	s24 =	sadd.s32 $0x1, s24  }
0x13: {  	p1 =	sne.s32 s24, s8  }
.Ltmp1:
0x14: {  	_ = 	snop;
	(pc) =	sbr.rel @!p1 .LBB2_13-.Ltmp1, $1  }
0x15: {  	_ =	sdelay $0x3  }
.LBB2_1:
0x16: {  	[tilespmem:s12], [sflag:$0x5] =	stream.linear.gather [hbm4b:s5+s3], $0x880, $0x38;
	[tilespmem:$0x1A400] =	vst v63  }
0x17: {  	_ =	swait.ge [sflag:s13], $0x880  }
0x18: {  	[sflag:s13] =	ssyncset.done $0x0  }
0x19: {  	s25 =	sadd.s32 $0x0, s10;
	[sflag:s13] =	ssyncadd.s32 $0xFFFFF780  }
0x1a: {  	[spmem:s25] =	stream.linear.scatter [tilespmem:s12], [sflag:$0x5], $0x880, $0x38;
	[tilespmem:$0x1A400] =	vst v63  }
0x1b: {  	s25 =	simm.s32 $0x2200;
	_ =	swait.ge [sflag:s13], $0x880  }
.LBB2_2:
0x1c: {  	s26 =	sshra.s32 s25, $0x2;
	[sflag:s13] =	ssyncset.done $0x0;
	p1 =	sne.s32 s25, $0x2EC00  }
.Ltmp2:
0x1d: {  	s26 =	sadd.s32 s26, s10;
	[sflag:s13] =	ssyncadd.s32 $0xFFFFF780;
	(pc) =	sbr.rel @p1 .LBB2_2-.Ltmp2, $3  }
0x1e: {  	[spmem:s26] =	stream.linear.scatter [tilespmem:s12], [sflag:$0x5], $0x880, $0x38;
	[tilespmem:$0x1A400] =	vst v63  }
0x1f: {  	s25 =	sadd.s32 $0x2200, s25;
	_ =	sdelay $0x1  }
0x20: {  	_ =	swait.ge [sflag:s13], $0x880  }
0x21: {  	[sflag:s13] =	ssyncset.done $0x0  }
0x22: {  	s25 =	simm.s32 $0x0;
	[sflag:s13] =	ssyncadd.s32 $0xFFFFF780  }
0x23: {  	[tilespmem:s25], [sflag:$0x5] =	stream.linear.gather [hbm4b:s6+s25], $0x6400, $0x38;
	[tilespmem:$0x1A400] =	vst v63  }
0x24: {  	_ =	swait.ge [sflag:s13], $0x6400  }
0x25: {  	[sflag:s13] =	ssyncset.done $0x0  }
0x26: {  	[sflag:s13] =	ssyncadd.s32 $0xFFFF9C00  }
0x27: {  	[tilespmem:s14], [sflag:$0x5] =	stream.linear.gather [hbm4b:s7+s25], $0x6400, $0x38;
	[tilespmem:$0x1A400] =	vst v63  }
0x28: {  	_ =	swait.ge [sflag:s13], $0x6400  }
0x29: {  	[sflag:s13] =	ssyncset.done $0x0  }
0x2a: {  	[sflag:s13] =	ssyncadd.s32 $0xFFFF9C00  }
0x2b: {  	[bflag:$0x0] =	sbarrier.arrive $0xFFFF  }
0x2c: {  	[tilespmem:s16], [sflag:$0x1] =	stream.indirect.gather [hbm4b:s4+s15], $0x10, s25, s15, $0xb8;
	[tilespmem:$0x1A400] =	vst v63  }
0x2d: {  	_ = 	snop  }
0x2e: {  	[tilespmem:s17], [sflag:$0x2] =	stream.indirect.gather [hbm4b:s4+s15], $0x10, s15, s15, $0xb8;
	[tilespmem:$0x1A400] =	vst v63  }
0x2f: {  	_ =	swait.ge [sflag:s18], $0x800  }
0x30: {  	[sflag:s18] =	ssyncset.done $0x0  }
0x31: {  	s29 =	simm.s32 $0x6400;
	[sflag:s18] =	ssyncadd.s32 $0xFFFFF800  }
0x32: {  	[spmem:s1] =	stream.indirect.scatter.add.f32 [tilespmem:s16], [sflag:$0x3], $0x10, s29, s15, $0xb8;
	[tilespmem:$0x1A400] =	vst v63  }
0x33: {  	_ =	swait.ge [sflag:s19], $0x800  }
0x34: {  	[sflag:s19] =	ssyncset.done $0x0  }
0x35: {  	s30 =	simm.s32 $0x6480;
	[sflag:s19] =	ssyncadd.s32 $0xFFFFF800  }
0x36: {  	[spmem:s1] =	stream.indirect.scatter.add.f32 [tilespmem:s17], [sflag:$0x4], $0x10, s30, s15, $0xb8;
	[tilespmem:$0x1A400] =	vst v63  }
0x37: {  	_ =	swait.ge [sflag:s20], $0x800  }
0x38: {  	[sflag:s20] =	ssyncset.done $0x0  }
0x39: {  	s31 =	simm.s32 $0x100;
	[sflag:s20] =	ssyncadd.s32 $0xFFFFF800  }
0x3a: {  	[tilespmem:s16], [sflag:$0x1] =	stream.indirect.gather [hbm4b:s4+s15], $0x10, s31, s15, $0xb8;
	[tilespmem:$0x1A400] =	vst v63  }
0x3b: {  	_ =	swait.ge [sflag:s21], $0x800  }
0x3c: {  	[sflag:s21] =	ssyncset.done $0x0  }
0x3d: {  	s26 =	simm.s32 $0x180;
	s25 =	simm.s32 $0x400;
	[sflag:s21] =	ssyncadd.s32 $0xFFFFF800  }
.LBB2_4:
0x3e: {  	[tilespmem:s17], [sflag:$0x2] =	stream.indirect.gather [hbm4b:s4+s15], $0x10, s26, s15, $0xb8;
	[tilespmem:$0x1A400] =	vst v63  }
0x3f: {  	s26 =	smov.u32 s25  }
0x40: {  	p1 =	sne.s32 s25, $0x18800;
	s25 =	sadd.s32 $0x400, s25;
	_ =	swait.ge [sflag:s18], $0x800  }
0x41: {  	s26 =	sshra.s32 s26, $0x2;
	[sflag:s18] =	ssyncset.done $0x0  }
0x42: {  	s28 =	sadd.s32 $0x6400, s26;
	[sflag:s18] =	ssyncadd.s32 $0xFFFFF800  }
0x43: {  	[spmem:s1] =	stream.indirect.scatter.add.f32 [tilespmem:s16], [sflag:$0x3], $0x10, s28, s15, $0xb8;
	[tilespmem:$0x1A400] =	vst v63  }
0x44: {  	_ =	swait.ge [sflag:s19], $0x800  }
0x45: {  	[sflag:s19] =	ssyncset.done $0x0  }
0x46: {  	s28 =	sadd.s32 $0x6480, s26;
	[sflag:s19] =	ssyncadd.s32 $0xFFFFF800  }
0x47: {  	[spmem:s1] =	stream.indirect.scatter.add.f32 [tilespmem:s17], [sflag:$0x4], $0x10, s28, s15, $0xb8;
	[tilespmem:$0x1A400] =	vst v63  }
0x48: {  	_ =	swait.ge [sflag:s20], $0x800  }
0x49: {  	[sflag:s20] =	ssyncset.done $0x0  }
.Ltmp3:
0x4a: {  	s28 =	sadd.s32 $0x100, s26;
	[sflag:s20] =	ssyncadd.s32 $0xFFFFF800;
	(pc) =	sbr.rel @p1 .LBB2_4-.Ltmp3, $4  }
0x4b: {  	[tilespmem:s16], [sflag:$0x1] =	stream.indirect.gather [hbm4b:s4+s15], $0x10, s28, s15, $0xb8;
	[tilespmem:$0x1A400] =	vst v63  }
0x4c: {  	_ =	swait.ge [sflag:s21], $0x800  }
0x4d: {  	[sflag:s21] =	ssyncset.done $0x0  }
0x4e: {  	s26 =	sadd.s32 $0x180, s26;
	[sflag:s21] =	ssyncadd.s32 $0xFFFFF800  }
0x4f: {  	[tilespmem:s17], [sflag:$0x2] =	stream.indirect.gather [hbm4b:s4+s15], $0x10, s26, s15, $0xb8;
	[tilespmem:$0x1A400] =	vst v63  }
0x50: {  	_ =	swait.ge [sflag:s18], $0x800  }
0x51: {  	[sflag:s18] =	ssyncset.done $0x0  }
0x52: {  	[sflag:s18] =	ssyncadd.s32 $0xFFFFF800  }
0x53: {  	[spmem:s1] =	stream.indirect.scatter.add.f32 [tilespmem:s16], [sflag:$0x3], $0x10, s22, s15, $0xb8;
	[tilespmem:$0x1A400] =	vst v63  }
0x54: {  	_ =	swait.ge [sflag:s19], $0x800  }
0x55: {  	[sflag:s19] =	ssyncset.done $0x0  }
0x56: {  	[sflag:s19] =	ssyncadd.s32 $0xFFFFF800  }
0x57: {  	[spmem:s1] =	stream.indirect.scatter.add.f32 [tilespmem:s17], [sflag:$0x4], $0x10, s23, s15, $0xb8;
	[tilespmem:$0x1A400] =	vst v63  }
0x58: {  	_ =	swait.ge [sflag:s20], $0x800  }
0x59: {  	[sflag:s20] =	ssyncset.done $0x0  }
0x5a: {  	[sflag:s20] =	ssyncadd.s32 $0xFFFFF800  }
.Ltmp4:
0x5b: {  	_ =	swait.ge [sflag:s21], $0x800;
	(pc) =	sbr.rel @!p0 .LBB2_6-.Ltmp4, $3  }
0x5c: {  	[sflag:s21] =	ssyncset.done $0x0  }
0x5d: {  	[sflag:s21] =	ssyncadd.s32 $0xFFFFF800  }
0x5e: {  	[bflag:$0x0] =	sbarrier.arrive $0xFFFF;
	_ =	sdelay $0x1  }
0x5f: {  	[tilespmem:s12], [sflag:$0x5] =	stream.linear.gather [spmem:s10], $0x880, $0x38;
	[tilespmem:$0x1A400] =	vst v63  }
0x60: {  	_ =	swait.ge [sflag:s13], $0x880  }
0x61: {  	[sflag:s13] =	ssyncset.done $0x0  }
0x62: {  	s25 =	sadd.s32 $0x0, s11;
	[sflag:s13] =	ssyncadd.s32 $0xFFFFF780  }
0x63: {  	[hbm4b:s25+s3] =	stream.linear.scatter [tilespmem:s12], [sflag:$0x5], $0x880, $0x38;
	[tilespmem:$0x1A400] =	vst v63  }
0x64: {  	_ =	swait.ge [sflag:s13], $0x880  }
0x65: {  	s26 =	smov.u32 s10;
	s25 =	simm.s32 $0x110;
	[sflag:s13] =	ssyncset.done $0x0  }
.LBB2_10:
0x66: {  	p1 =	sne.s32 s25, $0x1760;
	[sflag:s13] =	ssyncadd.s32 $0xFFFFF780;
	s26 =	sadd.s32 $0x880, s26  }
0x67: {  	[tilespmem:s12], [sflag:$0x5] =	stream.linear.gather [spmem:s26], $0x880, $0x38;
	[tilespmem:$0x1A400] =	vst v63  }
0x68: {  	s28 =	smov.u32 s25;
	s25 =	sadd.s32 $0x110, s25;
	_ =	swait.ge [sflag:s13], $0x880  }
.Ltmp5:
0x69: {  	[sflag:s13] =	ssyncset.done $0x0;
	(pc) =	sbr.rel @p1 .LBB2_10-.Ltmp5, $4  }
0x6a: {  	s28 =	sadd.s32 s28, s11;
	[sflag:s13] =	ssyncadd.s32 $0xFFFFF780  }
0x6b: {  	[hbm4b:s28+s3] =	stream.linear.scatter [tilespmem:s12], [sflag:$0x5], $0x880, $0x38;
	[tilespmem:$0x1A400] =	vst v63  }
0x6c: {  	_ =	swait.ge [sflag:s13], $0x880  }
0x6d: {  	[sflag:s13] =	ssyncset.done $0x0  }
.Ltmp6:
0x6e: {  	(pc) =	sbr.rel .LBB2_12-.Ltmp6, $2  }
0x6f: {  	_ =	sdelay $0x2  }
0x70: {  	[sflag:s13] =	ssyncadd.s32 $0xFFFFF780  }
.LBB2_6:
0x71: {  	[tilespmem:s12], [sflag:$0x5] =	stream.linear.gather [spmem:s10], $0x880, $0x38;
	[tilespmem:$0x1A400] =	vst v63  }
0x72: {  	_ =	swait.ge [sflag:s13], $0x880  }
0x73: {  	[sflag:s13] =	ssyncset.done $0x0  }
0x74: {  	s25 =	sadd.s32 $0x0, s9;
	[sflag:s13] =	ssyncadd.s32 $0xFFFFF780  }
0x75: {  	[hbm4b:s25+s3] =	stream.linear.scatter [tilespmem:s12], [sflag:$0x5], $0x880, $0x38;
	[tilespmem:$0x1A400] =	vst v63  }
0x76: {  	_ =	swait.ge [sflag:s13], $0x880  }
0x77: {  	s26 =	smov.u32 s10;
	s25 =	simm.s32 $0x110;
	[sflag:s13] =	ssyncset.done $0x0  }
.LBB2_7:
0x78: {  	p1 =	seq.s32 s25, $0x1760;
	[sflag:s13] =	ssyncadd.s32 $0xFFFFF780;
	s26 =	sadd.s32 $0x880, s26  }
0x79: {  	[tilespmem:s12], [sflag:$0x5] =	stream.linear.gather [spmem:s26], $0x880, $0x38;
	[tilespmem:$0x1A400] =	vst v63  }
0x7a: {  	s28 =	smov.u32 s25;
	s25 =	sadd.s32 $0x110, s25;
	_ =	swait.ge [sflag:s13], $0x880  }
.Ltmp7:
0x7b: {  	[sflag:s13] =	ssyncset.done $0x0;
	(pc) =	sbr.rel @!p1 .LBB2_7-.Ltmp7, $4  }
0x7c: {  	s28 =	sadd.s32 s28, s9;
	[sflag:s13] =	ssyncadd.s32 $0xFFFFF780  }
0x7d: {  	[hbm4b:s28+s3] =	stream.linear.scatter [tilespmem:s12], [sflag:$0x5], $0x880, $0x38;
	[tilespmem:$0x1A400] =	vst v63  }
0x7e: {  	_ =	swait.ge [sflag:s13], $0x880  }
0x7f: {  	[sflag:s13] =	ssyncset.done $0x0  }
.Ltmp8:
0x80: {  	_ = 	snop;
	(pc) =	sbr.rel .LBB2_8-.Ltmp8, $1  }
0x81: {  	_ =	sdelay $0x3  }
.LBB2_13:
0x82: {  	_ =	sfence.sel $0x180000  }
0x83: {  	[bflag:$0x0] =	sbarrier.arrive $0xFFFF  }
0x84: {  	p0 =	sne.s32 s2, $0x0;
	_ =	strace $0x9000004A  }
0x85: {  	s0 =	sadd.s32 @!p0 $0x100000, s0;
	[bflag:$0x2] =	sbarrier.arrive $0xFFFF  }
0x86: {  	[sflag:s0] =	ssyncadd.tile.s32 @!p0 $0x1;
	_ =	shalt  }
.Lfunc_end2:
_tile_overlayer_lowered:
.L_overlay_start_2:
0x87: {  	(tag) =	ssettag $0x2  }
0x88: {  	s0 =	rddreg [dreg:$0x0];
	s2 =	stileid.u32  }
0x89: {  	s1 =	rddreg [dreg:$0x1];
	p0 =	sne.s32 s2, $0x0  }
0x8a: {  	s3 =	rddreg [dreg:$0x2];
	[bflag:$0x3] =	sbarrier.arrive $0xFFFF;
	s2 =	simm.s32 @!p0 $0x1C05  }
0x8b: {  	[timem:s3], [sflag:s2] =	dma.local @!p0 [hbm:s0], s1  }
0x8c: {  	s0 =	simm.s32 @!p0 $0x5  }
0x8d: {  	_ =	swait.ge @!p0 [sflag:s0], s1  }
0x8e: {  	s1 =	ssub.s32 @!p0 $0x0, s1;
	[sflag:s0] =	ssyncset.done @!p0 $0x0  }
0x8f: {  	[sflag:s0] =	ssyncadd.s32 @!p0 s1  }
0x90: {  	[bflag:$0x3] =	sbarrier.arrive $0xFFFF  }
0x91: {  	_ =	shalt  }

// kernel: kernel.14.cloned.1.call-start
scs
__scs_entry_jumppad:
0x0: {  	(pc) =	sbr.rel $0x88, $3  }
0x1: {  	(tag) =	ssettag $0x0;
	lr =	simm.s32 $0x1  }
0x2: {  	[smem:$0x3F9A] =	sst lr;
	_ =	strace $0xD0000000  }
0x3: {  	_ = 	snop  }
0x4: {  	_ = 	snop  }
0x5: {  	_ = 	snop  }
0x6: {  	_ = 	snop  }
0x7: {  	_ = 	snop  }
__scs_overlays_trampoline_lowered:
0x8: {  	[smem:$0x3FA9] =	sst s0  }
0x9: {  	[smem:$0x3FAA] =	sst s1  }
0xa: {  	[smem:$0x3FAB] =	sst s2  }
0xb: {  	[smem:$0x3FAC] =	sst s3  }
0xc: {  	[smem:$0x3FAD] =	sst s4  }
0xd: {  	[smem:$0x3FAE] =	sst s5  }
0xe: {  	[smem:$0x3FAF] =	sst s6  }
0xf: {  	[smem:$0x3FB0] =	sst s7  }
0x10: {  	[smem:$0x3FB1] =	sst s8  }
0x11: {  	[smem:$0x3FB2] =	sst s9;
	s0 =	simm.s32 @!p0 $0x0  }
0x12: {  	s1 =	sld [smem:$0x3F98];
	s0 =	simm.s32 @p0 $0x1  }
0x13: {  	[smem:$0x3FB3] =	sst s0;
	s0 =	simm.s32 @!p1 $0x0  }
0x14: {  	s2 =	sld [smem:$0x3F97];
	s0 =	simm.s32 @p1 $0x1  }
0x15: {  	[smem:$0x3FB4] =	sst s0;
	s0 =	simm.s32 @!p2 $0x0  }
0x16: {  	s3 =	sld [smem:$0x3FDB];
	s0 =	simm.s32 @p2 $0x1  }
0x17: {  	s4 =	simm.s32 $0x1BF5;
	[smem:$0x3FB6] =	sst s0  }
0x18: {  	s0 =	sld [smem:$0x3F99];
	_ =	swait.ge [sflag:s4], $0x0  }
0x19: {  	s7 =	sld [smem:$0x3F9A]  }
0x1a: {  	s8 =	sadd.s32 $0xFFFFE003, lr  }
0x1b: {  	s9 =	sadd.s32 $0xFFFFFEF7, lr;
	s5 =	simm.s32 $0xFFFFFFFF;
	p2 =	slt.u32 s8, $0xFFFFF086  }
0x1c: {  	p1 =	slt.u32 s9, $0xF7A;
	s5 =	simm.s32 @!p2 $0x0  }
0x1d: {  	s5 =	simm.s32 @p1 $0x1;
	p0 =	seq.s32 s7, s2  }
0x1e: {  	s7 =	smul.u32 @!p0 $0xF7A, s2;
	p2 =	seq.s32 @!p0 s5, $0x0  }
0x1f: {  	s9 =	smul.u32 $0xF7A, s1;
	s8 =	simm.s32 @!p0 $0x1BF5;
	p2 =	por !p2, p0  }
0x20: {  	[sflag:s8] =	ssyncset.s32 @!p0 $0xFFFFF086;
	s6 =	sadd.s32 @!p0 s3, s7;
	s7 =	simm.s32 @!p0 $0x108  }
0x21: {  	s3 =	sadd.s32 s3, s9;
	s6 =	sadd.s32 @!p0 $0x88, s6;
	s7 =	simm.s32 @p2 $0x1082  }
0x22: {  	[simem:s7], [sflag:s8] =	dma.local @!p0 [hbm:s6], $0xF7A  }
0x23: {  	s9 =	sor.u32 $0xD0000000, s2;
	s6 =	simm.s32 $0x108;
	_ =	swait.ge @!p0 [sflag:s8], $0x0  }
0x24: {  	s3 =	sadd.s32 $0x88, s3;
	s6 =	simm.s32 @!p1 $0x1082;
	[sflag:s4] =	ssyncset.s32 $0xFFFFF086  }
0x25: {  	[simem:s6], [sflag:s4] =	dma.local [hbm:s3], $0xF7A  }
0x26: {  	[smem:$0x3F9A] =	sst s1;
	(tag) =	ssettag s2;
	_ =	strace s9  }
0x27: {  	s1 =	sld [smem:$0x3FAA]  }
0x28: {  	s2 =	sld [smem:$0x3FAB]  }
0x29: {  	s4 =	sld [smem:$0x3FAD]  }
0x2a: {  	p0 =	seq.s32 s5, $0x0;
	s5 =	sld [smem:$0x3FAE]  }
0x2b: {  	s6 =	sld [smem:$0x3FAF]  }
0x2c: {  	s7 =	sld [smem:$0x3FB0]  }
0x2d: {  	s3 =	simm.s32 $0x108;
	s8 =	sld [smem:$0x3FB1]  }
0x2e: {  	s3 =	simm.s32 @!p0 $0x1082;
	s9 =	sld [smem:$0x3FB2]  }
0x2f: {  	lr =	sadd.s32 s0, s3;
	s0 =	sld [smem:$0x3FA9]  }
0x30: {  	s3 =	sld [smem:$0x3FAC]  }
0x31: {  	[smem:$0x3FB5] =	sst s10  }
0x32: {  	s10 =	sld [smem:$0x3FB3];
	_ =	sdelay $0x3  }
0x33: {  	p0 =	seq.s32 s10, $0x1;
	s10 =	sld [smem:$0x3FB5];
	_ =	sdelay $0x3  }
0x34: {  	[smem:$0x3FB5] =	sst s10  }
0x35: {  	s10 =	sld [smem:$0x3FB4];
	_ =	sdelay $0x3  }
0x36: {  	p1 =	seq.s32 s10, $0x1;
	s10 =	sld [smem:$0x3FB5];
	_ =	sdelay $0x3  }
0x37: {  	[smem:$0x3FB5] =	sst s10  }
0x38: {  	s10 =	sld [smem:$0x3FB6]  }
0x39: {  	_ = 	snop;
	(pc) =	sbr.ind lr, $3  }
0x3a: {  	_ = 	snop  }
0x3b: {  	_ = 	snop  }
0x3c: {  	p2 =	seq.s32 s10, $0x1;
	s10 =	sld [smem:$0x3FB5]  }
0x3d: {  	_ =	shalt  }
0x3e: {  	_ =	shalt  }
0x3f: {  	_ =	shalt  }
0x40: {  	_ =	shalt  }
0x41: {  	_ =	shalt  }
0x42: {  	_ =	shalt  }
0x43: {  	_ =	shalt  }
0x44: {  	_ =	shalt  }
0x45: {  	_ =	shalt  }
0x46: {  	_ =	shalt  }
0x47: {  	_ =	shalt  }
0x48: {  	_ =	shalt  }
0x49: {  	_ =	shalt  }
0x4a: {  	_ =	shalt  }
0x4b: {  	_ =	shalt  }
0x4c: {  	_ =	shalt  }
0x4d: {  	_ =	shalt  }
0x4e: {  	_ =	shalt  }
0x4f: {  	_ =	shalt  }
0x50: {  	_ =	shalt  }
0x51: {  	_ =	shalt  }
0x52: {  	_ =	shalt  }
0x53: {  	_ =	shalt  }
0x54: {  	_ =	shalt  }
0x55: {  	_ =	shalt  }
0x56: {  	_ =	shalt  }
0x57: {  	_ =	shalt  }
0x58: {  	_ =	shalt  }
0x59: {  	_ =	shalt  }
0x5a: {  	_ =	shalt  }
0x5b: {  	_ =	shalt  }
0x5c: {  	_ =	shalt  }
0x5d: {  	_ =	shalt  }
0x5e: {  	_ =	shalt  }
0x5f: {  	_ =	shalt  }
0x60: {  	_ =	shalt  }
0x61: {  	_ =	shalt  }
0x62: {  	_ =	shalt  }
0x63: {  	_ =	shalt  }
0x64: {  	_ =	shalt  }
0x65: {  	_ =	shalt  }
0x66: {  	_ =	shalt  }
0x67: {  	_ =	shalt  }
0x68: {  	_ =	shalt  }
0x69: {  	_ =	shalt  }
0x6a: {  	_ =	shalt  }
0x6b: {  	_ =	shalt  }
0x6c: {  	_ =	shalt  }
0x6d: {  	_ =	shalt  }
0x6e: {  	_ =	shalt  }
0x6f: {  	_ =	shalt  }
0x70: {  	_ =	shalt  }
0x71: {  	_ =	shalt  }
0x72: {  	_ =	shalt  }
0x73: {  	_ =	shalt  }
0x74: {  	_ =	shalt  }
0x75: {  	_ =	shalt  }
0x76: {  	_ =	shalt  }
0x77: {  	_ =	shalt  }
0x78: {  	_ =	shalt  }
0x79: {  	_ =	shalt  }
0x7a: {  	_ =	shalt  }
0x7b: {  	_ =	shalt  }
0x7c: {  	_ =	shalt  }
0x7d: {  	_ =	shalt  }
0x7e: {  	_ =	shalt  }
0x7f: {  	_ =	shalt  }
0x80: {  	_ =	shalt  }
0x81: {  	_ =	shalt  }
0x82: {  	_ =	shalt  }
0x83: {  	_ =	shalt  }
0x84: {  	_ =	shalt  }
0x85: {  	_ =	shalt  }
0x86: {  	_ =	shalt  }
0x87: {  	_ =	shalt  }
.Lfunc_end0:
.L_simem_size_0:
called_computation.2_lowered:
.L_overlay_start_0:
0x88: {  	s2 =	sld [smem:$0x3FD9]  }
0x89: {  	s3 =	sld [smem:$0x3FFE];
	_ =	sdelay $0x1  }
0x8a: {  	s1 =	srdreg.scid  }
0x8b: {  	s0 =	sand.u32 $0x1, s1  }
0x8c: {  	s14 =	sshll.u32 s0, $0xA;
	s2 =	sadd.s32 s3, s2  }
0x8d: {  	s2 =	sadd.s32 s2, s14  }
0x8e: {  	[smem:$0x3FC1] =	sst s2  }
0x8f: {  	_ = 	snop  }
0x90: {  	s2 =	sld [smem:$0x3FD0];
	_ =	sdelay $0x2  }
0x91: {  	s15 =	simm.s32 $0xA;
	s4 =	simm.s32 $0x10  }
0x92: {  	[smem:s4], [sflag:s15] =	dma.local [hbm:s2], $0x1  }
0x93: {  	_ =	swait.eq [sflag:s15], $0x1  }
0x94: {  	[sflag:s15] =	ssyncset.done $0x0  }
0x95: {  	[sflag:s15] =	ssyncadd.s32 $0xFFFFFFFF  }
0x96: {  	s16 =	sld [smem:$0x11];
	(tm) =	ssettm $0x1  }
0x97: {  	s17 =	sld [smem:$0x3FFB];
	_ =	sdelay $0x3  }
0x98: {  	_ =	strace s17  }
0x99: {  	s3 =	sld [smem:$0x3FFC];
	_ =	sdelay $0x3  }
0x9a: {  	_ =	strace s3  }
0x9b: {  	s3 =	sld [smem:$0x3FFD];
	_ =	sdelay $0x3  }
0x9c: {  	_ =	strace s3  }
0x9d: {  	_ =	strace $0x8FFFFFFF  }
0x9e: {  	s18 =	sld [smem:$0x3FDB];
	_ =	sdelay $0x1  }
0x9f: {  	s19 =	simm.s32 $_scs_section_size  }
0xa0: {  	s5 =	simm.s32 $_size__tile_overlayer_lowered;
	s6 =	simm.s32 $_tile_overlayer_lowered  }
0xa1: {  	s22 =	simm.s32 $0x1BFF;
	s21 =	sshll.u32 s6, $0x1;
	s3 =	sadd.s32 s19, s18  }
0xa2: {  	s7 =	simm.s32 $0x0;
	s20 =	sshll.u32 s5, $0x1;
	s5 =	sadd.s32 s21, s3  }
0xa3: {  	[timem:s7], [sflag:s22] =	dma.local [hbm:s5], s20  }
0xa4: {  	_ =	swait.ge [sflag:s22], s20  }
0xa5: {  	s4 =	ssub.s32 $0x0, s20;
	[sflag:s22] =	ssyncset.done $0x0  }
0xa6: {  	[sflag:s22] =	ssyncadd.s32 s4;
	_ =	sdelay $0x1  }
0xa7: {  	s23 =	simm.s32 $0x1B8B  }
0xa8: {  	_ =	swait.ge [sflag:s23], $0x1  }
0xa9: {  	[sflag:s23] =	ssyncset.done $0x0  }
0xaa: {  	s25 =	simm.s32 $0x1B8E;
	s24 =	sld [smem:$0x3FFE];
	[sflag:s23] =	ssyncadd.s32 $0xFFFFFFFF  }
0xab: {  	s26 =	simm.s32 $execute0_lowered;
	[smem:$0x3FD2] =	sst s25  }
0xac: {  	s5 =	sshll.u32 s26, $0x1;
	_ =	strace $0x8000004C;
	[dreg:$0x1] =	wrdreg $0xFFFFFFFF  }
0xad: {  	s28 =	simm.s32 $_size_execute0_lowered;
	s3 =	sadd.s32 s3, s5;
	[dreg:$0x0] =	wrdreg $0x0  }
0xae: {  	s5 =	sshll.u32 s28, $0x1;
	[dreg:$0x2] =	wrdreg s3  }
0xaf: {  	[dreg:$0x3] =	wrdreg s5  }
0xb0: {  	[dreg:$0x4] =	wrdreg $0xC0  }
0xb1: {  	_ =	task [dreg:s7], $0x5FFFF  }
0xb2: {  	[dreg:$0x1] =	wrdreg $0xFFFFFFFF  }
0xb3: {  	[dreg:$0x0] =	wrdreg $0x60  }
0xb4: {  	[dreg:$0x2] =	wrdreg s16  }
0xb5: {  	[dreg:$0x3] =	wrdreg s24  }
0xb6: {  	[dreg:$0x4] =	wrdreg $0xD4400  }
0xb7: {  	[dreg:$0x5] =	wrdreg $0x9  }
0xb8: {  	_ =	task.clear_ibuf [dreg:s7], $0x6FFFF;
	_ =	strace $0x9000004C  }
0xb9: {  	s29 =	simm.s32 $0x9;
	_ =	strace $0x8000004E  }
0xba: {  	_ =	swait.ge [sflag:s29], $0x1  }
0xbb: {  	[sflag:s29] =	ssyncadd.s32 $0xFFFFFFFF  }
0xbc: {  	_ =	strace $0x9000004E  }
0xbd: {  	_ =	sfence  }
0xbe: {  	s30 =	sld [smem:$0x0];
	_ =	sdelay $0x2  }
0xbf: {  	s31 =	sshll.u32 s1, $0xD;
	s1 =	sshrl.u32 s1, $0x2  }
0xc0: {  	s3 =	sand.u32 $0x4000, s31;
	s1 =	sadd.s32 s1, s30  }
0xc1: {  	s0 =	sor.u32 s3, s0;
	s1 =	sshll.u32 s1, $0x11  }
0xc2: {  	s0 =	sor.u32 s1, s0  }
0xc3: {  	s0 =	sadd.s32 $0x8F2B, s0  }
0xc4: {  	[sflag:s0] =	ssyncadd.remote.s32 $0x1  }
0xc5: {  	_ =	sfence.sel $0xFFFF  }
0xc6: {  	[dreg:$0x0] =	wrdreg $0xFFFFFFFF;
	(pc) =	sbr.abs _section_cstart, $3  }
0xc7: {  	[dreg:$0x1] =	wrdreg $0xFFFFFFFF  }
0xc8: {  	_ =	task.clear_ibuf [dreg:s7], $0x2FFFF;
	_ =	strace $0x9FFFFFFF  }
0xc9: {  	(tm) =	ssettm $0x7FFFFFFF  }
tec
execute0_lowered:
.L_overlay_start_1:
0x0: {  	(tag) =	ssettag $0x1  }
0x1: {  	s0 =	rddreg [dreg:$0x0]  }
0x2: {  	s6 =	rddreg [dreg:$0x1]  }
0x3: {  	s1 =	srdreg.scid;
	s3 =	rddreg [dreg:$0x2]  }
0x4: {  	s2 =	stileid.u32;
	s4 =	simm.s32 $0x0;
	s13 =	simm.s32 $0x5  }
0x5: {  	s14 =	simm.s32 $0x6400;
	s15 =	simm.s32 $0x80;
	s16 =	simm.s32 $0xC800  }
0x6: {  	s17 =	simm.s32 $0xCC00;
	s18 =	simm.s32 $0x1;
	s19 =	simm.s32 $0x2  }
0x7: {  	s20 =	simm.s32 $0x3;
	s21 =	simm.s32 $0x4;
	s22 =	simm.s32 $0xC700  }
0x8: {  	s23 =	simm.s32 $0xC780;
	s8 =	sand.u32 $0x1, s1;
	s1 =	rddreg [dreg:$0x3]  }
0x9: {  	s24 =	simm.s32 $0x0;
	[smem:$0x7FF] =	sst s4;
	s7 =	smul.u32 $0xC38, s2  }
0xa: {  	s30 =	smul.u32 $0x18700, s2;
	s5 =	sshll.u32 s8, $0x4;
	_ =	strace $0x8000004D  }
0xb: {  	s9 =	ssub.s32 $0x2, s8;
	p0 =	seq.s32 s8, $0x1;
	s5 =	sor.u32 s2, s5  }
.Ltmp0:
0xc: {  	s11 =	sshrl.u32 s9, $0x1;
	s12 =	sadd.s32 s7, s6;
	(pc) =	sbr.rel .LBB2_1-.Ltmp0, $4  }
0xd: {  	s31 =	sshrl.u32 s30, $0x2;
	s5 =	smul.u32 $0xC80, s5;
	s9 =	ssub.s32 s9, s11  }
0xe: {  	s11 =	sadd.s32 $0x103A00, s12;
	s8 =	smax.u32 s9, $0x1;
	s9 =	sadd.s32 $0x10FE00, s12  }
0xf: {  	s12 =	simm.s32 $0xD000;
	s10 =	sadd.s32 s5, s6;
	s5 =	sadd.s32 $0xF7600, s6  }
0x10: {  	s6 =	sadd.s32 $0x1AE00, s10;
	s7 =	sadd.s32 $0x1E00, s10;
	s10 =	sadd.s32 s31, s3  }
.LBB2_8:
0x11: {  	[sflag:s13] =	ssyncadd.s32 $0xFFFFFBC0  }
.LBB2_12:
0x12: {  	s24 =	sadd.s32 $0x1, s24  }
0x13: {  	p1 =	sne.s32 s24, s8  }
.Ltmp1:
0x14: {  	_ = 	snop;
	(pc) =	sbr.rel @!p1 .LBB2_13-.Ltmp1, $1  }
0x15: {  	_ =	sdelay $0x3  }
.LBB2_1:
0x16: {  	[tilespmem:s12], [sflag:$0x5] =	stream.linear.gather [hbm4b:s5+s4], $0x440, $0x38;
	[tilespmem:$0x13600] =	vst v63  }
0x17: {  	_ =	swait.ge [sflag:s13], $0x440  }
0x18: {  	[sflag:s13] =	ssyncset.done $0x0  }
0x19: {  	s25 =	sadd.s32 $0x0, s10;
	[sflag:s13] =	ssyncadd.s32 $0xFFFFFBC0  }
0x1a: {  	[spmem:s25] =	stream.linear.scatter [tilespmem:s12], [sflag:$0x5], $0x440, $0x38;
	[tilespmem:$0x13600] =	vst v63  }
0x1b: {  	s25 =	simm.s32 $0x1100;
	_ =	swait.ge [sflag:s13], $0x440  }
.LBB2_2:
0x1c: {  	s26 =	sshra.s32 s25, $0x2;
	[sflag:s13] =	ssyncset.done $0x0;
	p1 =	sne.s32 s25, $0x17600  }
.Ltmp2:
0x1d: {  	s26 =	sadd.s32 s26, s10;
	[sflag:s13] =	ssyncadd.s32 $0xFFFFFBC0;
	(pc) =	sbr.rel @p1 .LBB2_2-.Ltmp2, $3  }
0x1e: {  	[spmem:s26] =	stream.linear.scatter [tilespmem:s12], [sflag:$0x5], $0x440, $0x38;
	[tilespmem:$0x13600] =	vst v63  }
0x1f: {  	s25 =	sadd.s32 $0x1100, s25;
	_ =	sdelay $0x1  }
0x20: {  	_ =	swait.ge [sflag:s13], $0x440  }
0x21: {  	[sflag:s13] =	ssyncset.done $0x0  }
0x22: {  	s25 =	simm.s32 $0x0;
	[sflag:s13] =	ssyncadd.s32 $0xFFFFFBC0  }
0x23: {  	[tilespmem:s25], [sflag:$0x5] =	stream.linear.gather [hbm4b:s6+s25], $0x6400, $0x38;
	[tilespmem:$0x13600] =	vst v63  }
0x24: {  	_ =	swait.ge [sflag:s13], $0x6400  }
0x25: {  	[sflag:s13] =	ssyncset.done $0x0  }
0x26: {  	[sflag:s13] =	ssyncadd.s32 $0xFFFF9C00  }
0x27: {  	[tilespmem:s14], [sflag:$0x5] =	stream.linear.gather [hbm4b:s7+s25], $0x6400, $0x38;
	[tilespmem:$0x13600] =	vst v63  }
0x28: {  	_ =	swait.ge [sflag:s13], $0x6400  }
0x29: {  	[sflag:s13] =	ssyncset.done $0x0  }
0x2a: {  	[sflag:s13] =	ssyncadd.s32 $0xFFFF9C00  }
0x2b: {  	[bflag:$0x0] =	sbarrier.arrive $0xFFFF  }
0x2c: {  	[tilespmem:s16], [sflag:$0x1] =	stream.indirect.gather [hbm4b:s0+s15], $0x8, s25, s15, $0xb8;
	[tilespmem:$0x13600] =	vst v63  }
0x2d: {  	_ = 	snop  }
0x2e: {  	[tilespmem:s17], [sflag:$0x2] =	stream.indirect.gather [hbm4b:s0+s15], $0x8, s15, s15, $0xb8;
	[tilespmem:$0x13600] =	vst v63  }
0x2f: {  	_ =	swait.ge [sflag:s18], $0x400  }
0x30: {  	[sflag:s18] =	ssyncset.done $0x0  }
0x31: {  	s29 =	simm.s32 $0x6400;
	[sflag:s18] =	ssyncadd.s32 $0xFFFFFC00  }
0x32: {  	[spmem:s3] =	stream.indirect.scatter.add.f32 [tilespmem:s16], [sflag:$0x3], $0x8, s29, s15, $0xb8;
	[tilespmem:$0x13600] =	vst v63  }
0x33: {  	_ =	swait.ge [sflag:s19], $0x400  }
0x34: {  	[sflag:s19] =	ssyncset.done $0x0  }
0x35: {  	s30 =	simm.s32 $0x6480;
	[sflag:s19] =	ssyncadd.s32 $0xFFFFFC00  }
0x36: {  	[spmem:s3] =	stream.indirect.scatter.add.f32 [tilespmem:s17], [sflag:$0x4], $0x8, s30, s15, $0xb8;
	[tilespmem:$0x13600] =	vst v63  }
0x37: {  	_ =	swait.ge [sflag:s20], $0x400  }
0x38: {  	[sflag:s20] =	ssyncset.done $0x0  }
0x39: {  	s31 =	simm.s32 $0x100;
	[sflag:s20] =	ssyncadd.s32 $0xFFFFFC00  }
0x3a: {  	[tilespmem:s16], [sflag:$0x1] =	stream.indirect.gather [hbm4b:s0+s15], $0x8, s31, s15, $0xb8;
	[tilespmem:$0x13600] =	vst v63  }
0x3b: {  	_ =	swait.ge [sflag:s21], $0x400  }
0x3c: {  	[sflag:s21] =	ssyncset.done $0x0  }
0x3d: {  	s26 =	simm.s32 $0x180;
	s25 =	simm.s32 $0x400;
	[sflag:s21] =	ssyncadd.s32 $0xFFFFFC00  }
.LBB2_4:
0x3e: {  	[tilespmem:s17], [sflag:$0x2] =	stream.indirect.gather [hbm4b:s0+s15], $0x8, s26, s15, $0xb8;
	[tilespmem:$0x13600] =	vst v63  }
0x3f: {  	s26 =	smov.u32 s25  }
0x40: {  	p1 =	sne.s32 s25, $0x18800;
	s25 =	sadd.s32 $0x400, s25;
	_ =	swait.ge [sflag:s18], $0x400  }
0x41: {  	s26 =	sshra.s32 s26, $0x2;
	[sflag:s18] =	ssyncset.done $0x0  }
0x42: {  	s28 =	sadd.s32 $0x6400, s26;
	[sflag:s18] =	ssyncadd.s32 $0xFFFFFC00  }
0x43: {  	[spmem:s3] =	stream.indirect.scatter.add.f32 [tilespmem:s16], [sflag:$0x3], $0x8, s28, s15, $0xb8;
	[tilespmem:$0x13600] =	vst v63  }
0x44: {  	_ =	swait.ge [sflag:s19], $0x400  }
0x45: {  	[sflag:s19] =	ssyncset.done $0x0  }
0x46: {  	s28 =	sadd.s32 $0x6480, s26;
	[sflag:s19] =	ssyncadd.s32 $0xFFFFFC00  }
0x47: {  	[spmem:s3] =	stream.indirect.scatter.add.f32 [tilespmem:s17], [sflag:$0x4], $0x8, s28, s15, $0xb8;
	[tilespmem:$0x13600] =	vst v63  }
0x48: {  	_ =	swait.ge [sflag:s20], $0x400  }
0x49: {  	[sflag:s20] =	ssyncset.done $0x0  }
.Ltmp3:
0x4a: {  	s28 =	sadd.s32 $0x100, s26;
	[sflag:s20] =	ssyncadd.s32 $0xFFFFFC00;
	(pc) =	sbr.rel @p1 .LBB2_4-.Ltmp3, $4  }
0x4b: {  	[tilespmem:s16], [sflag:$0x1] =	stream.indirect.gather [hbm4b:s0+s15], $0x8, s28, s15, $0xb8;
	[tilespmem:$0x13600] =	vst v63  }
0x4c: {  	_ =	swait.ge [sflag:s21], $0x400  }
0x4d: {  	[sflag:s21] =	ssyncset.done $0x0  }
0x4e: {  	s26 =	sadd.s32 $0x180, s26;
	[sflag:s21] =	ssyncadd.s32 $0xFFFFFC00  }
0x4f: {  	[tilespmem:s17], [sflag:$0x2] =	stream.indirect.gather [hbm4b:s0+s15], $0x8, s26, s15, $0xb8;
	[tilespmem:$0x13600] =	vst v63  }
0x50: {  	_ =	swait.ge [sflag:s18], $0x400  }
0x51: {  	[sflag:s18] =	ssyncset.done $0x0  }
0x52: {  	[sflag:s18] =	ssyncadd.s32 $0xFFFFFC00  }
0x53: {  	[spmem:s3] =	stream.indirect.scatter.add.f32 [tilespmem:s16], [sflag:$0x3], $0x8, s22, s15, $0xb8;
	[tilespmem:$0x13600] =	vst v63  }
0x54: {  	_ =	swait.ge [sflag:s19], $0x400  }
0x55: {  	[sflag:s19] =	ssyncset.done $0x0  }
0x56: {  	[sflag:s19] =	ssyncadd.s32 $0xFFFFFC00  }
0x57: {  	[spmem:s3] =	stream.indirect.scatter.add.f32 [tilespmem:s17], [sflag:$0x4], $0x8, s23, s15, $0xb8;
	[tilespmem:$0x13600] =	vst v63  }
0x58: {  	_ =	swait.ge [sflag:s20], $0x400  }
0x59: {  	[sflag:s20] =	ssyncset.done $0x0  }
0x5a: {  	[sflag:s20] =	ssyncadd.s32 $0xFFFFFC00  }
.Ltmp4:
0x5b: {  	_ =	swait.ge [sflag:s21], $0x400;
	(pc) =	sbr.rel @!p0 .LBB2_6-.Ltmp4, $3  }
0x5c: {  	[sflag:s21] =	ssyncset.done $0x0  }
0x5d: {  	[sflag:s21] =	ssyncadd.s32 $0xFFFFFC00  }
0x5e: {  	[bflag:$0x0] =	sbarrier.arrive $0xFFFF;
	_ =	sdelay $0x1  }
0x5f: {  	[tilespmem:s12], [sflag:$0x5] =	stream.linear.gather [spmem:s10], $0x440, $0x38;
	[tilespmem:$0x13600] =	vst v63  }
0x60: {  	_ =	swait.ge [sflag:s13], $0x440  }
0x61: {  	[sflag:s13] =	ssyncset.done $0x0  }
0x62: {  	s25 =	sadd.s32 $0x0, s11;
	[sflag:s13] =	ssyncadd.s32 $0xFFFFFBC0  }
0x63: {  	[hbm4b:s25+s4] =	stream.linear.scatter [tilespmem:s12], [sflag:$0x5], $0x440, $0x38;
	[tilespmem:$0x13600] =	vst v63  }
0x64: {  	_ =	swait.ge [sflag:s13], $0x440  }
0x65: {  	s26 =	smov.u32 s10;
	s25 =	simm.s32 $0x88;
	[sflag:s13] =	ssyncset.done $0x0  }
.LBB2_10:
0x66: {  	p1 =	sne.s32 s25, $0xBB0;
	[sflag:s13] =	ssyncadd.s32 $0xFFFFFBC0;
	s26 =	sadd.s32 $0x440, s26  }
0x67: {  	[tilespmem:s12], [sflag:$0x5] =	stream.linear.gather [spmem:s26], $0x440, $0x38;
	[tilespmem:$0x13600] =	vst v63  }
0x68: {  	s28 =	smov.u32 s25;
	s25 =	sadd.s32 $0x88, s25;
	_ =	swait.ge [sflag:s13], $0x440  }
.Ltmp5:
0x69: {  	[sflag:s13] =	ssyncset.done $0x0;
	(pc) =	sbr.rel @p1 .LBB2_10-.Ltmp5, $4  }
0x6a: {  	s28 =	sadd.s32 s28, s11;
	[sflag:s13] =	ssyncadd.s32 $0xFFFFFBC0  }
0x6b: {  	[hbm4b:s28+s4] =	stream.linear.scatter [tilespmem:s12], [sflag:$0x5], $0x440, $0x38;
	[tilespmem:$0x13600] =	vst v63  }
0x6c: {  	_ =	swait.ge [sflag:s13], $0x440  }
0x6d: {  	[sflag:s13] =	ssyncset.done $0x0  }
.Ltmp6:
0x6e: {  	(pc) =	sbr.rel .LBB2_12-.Ltmp6, $2  }
0x6f: {  	_ =	sdelay $0x2  }
0x70: {  	[sflag:s13] =	ssyncadd.s32 $0xFFFFFBC0  }
.LBB2_6:
0x71: {  	[tilespmem:s12], [sflag:$0x5] =	stream.linear.gather [spmem:s10], $0x440, $0x38;
	[tilespmem:$0x13600] =	vst v63  }
0x72: {  	_ =	swait.ge [sflag:s13], $0x440  }
0x73: {  	[sflag:s13] =	ssyncset.done $0x0  }
0x74: {  	s25 =	sadd.s32 $0x0, s9;
	[sflag:s13] =	ssyncadd.s32 $0xFFFFFBC0  }
0x75: {  	[hbm4b:s25+s4] =	stream.linear.scatter [tilespmem:s12], [sflag:$0x5], $0x440, $0x38;
	[tilespmem:$0x13600] =	vst v63  }
0x76: {  	_ =	swait.ge [sflag:s13], $0x440  }
0x77: {  	s26 =	smov.u32 s10;
	s25 =	simm.s32 $0x88;
	[sflag:s13] =	ssyncset.done $0x0  }
.LBB2_7:
0x78: {  	p1 =	seq.s32 s25, $0xBB0;
	[sflag:s13] =	ssyncadd.s32 $0xFFFFFBC0;
	s26 =	sadd.s32 $0x440, s26  }
0x79: {  	[tilespmem:s12], [sflag:$0x5] =	stream.linear.gather [spmem:s26], $0x440, $0x38;
	[tilespmem:$0x13600] =	vst v63  }
0x7a: {  	s28 =	smov.u32 s25;
	s25 =	sadd.s32 $0x88, s25;
	_ =	swait.ge [sflag:s13], $0x440  }
.Ltmp7:
0x7b: {  	[sflag:s13] =	ssyncset.done $0x0;
	(pc) =	sbr.rel @!p1 .LBB2_7-.Ltmp7, $4  }
0x7c: {  	s28 =	sadd.s32 s28, s9;
	[sflag:s13] =	ssyncadd.s32 $0xFFFFFBC0  }
0x7d: {  	[hbm4b:s28+s4] =	stream.linear.scatter [tilespmem:s12], [sflag:$0x5], $0x440, $0x38;
	[tilespmem:$0x13600] =	vst v63  }
0x7e: {  	_ =	swait.ge [sflag:s13], $0x440  }
0x7f: {  	[sflag:s13] =	ssyncset.done $0x0  }
.Ltmp8:
0x80: {  	_ = 	snop;
	(pc) =	sbr.rel .LBB2_8-.Ltmp8, $1  }
0x81: {  	_ =	sdelay $0x3  }
.LBB2_13:
0x82: {  	_ =	sfence.sel $0x180000  }
0x83: {  	[bflag:$0x0] =	sbarrier.arrive $0xFFFF  }
0x84: {  	p0 =	sne.s32 s2, $0x0;
	_ =	strace $0x9000004D  }
0x85: {  	s0 =	sadd.s32 @!p0 $0x100000, s1;
	[bflag:$0x2] =	sbarrier.arrive $0xFFFF  }
0x86: {  	[sflag:s0] =	ssyncadd.tile.s32 @!p0 $0x1;
	_ =	shalt  }
.Lfunc_end2:
_tile_overlayer_lowered:
.L_overlay_start_2:
0x87: {  	(tag) =	ssettag $0x2  }
0x88: {  	s0 =	rddreg [dreg:$0x0];
	s2 =	stileid.u32  }
0x89: {  	s1 =	rddreg [dreg:$0x1];
	p0 =	sne.s32 s2, $0x0  }
0x8a: {  	s3 =	rddreg [dreg:$0x2];
	[bflag:$0x3] =	sbarrier.arrive $0xFFFF;
	s2 =	simm.s32 @!p0 $0x1C05  }
0x8b: {  	[timem:s3], [sflag:s2] =	dma.local @!p0 [hbm:s0], s1  }
0x8c: {  	s0 =	simm.s32 @!p0 $0x5  }
0x8d: {  	_ =	swait.ge @!p0 [sflag:s0], s1  }
0x8e: {  	s1 =	ssub.s32 @!p0 $0x0, s1;
	[sflag:s0] =	ssyncset.done @!p0 $0x0  }
0x8f: {  	[sflag:s0] =	ssyncadd.s32 @!p0 s1  }
0x90: {  	[bflag:$0x3] =	sbarrier.arrive $0xFFFF  }
0x91: {  	_ =	shalt  }

// kernel: kernel.8.cloned.1.call-start
scs
__scs_entry_jumppad:
0x0: {  	(pc) =	sbr.rel $0x88, $3  }
0x1: {  	(tag) =	ssettag $0x0;
	lr =	simm.s32 $0x1  }
0x2: {  	[smem:$0x3F9A] =	sst lr;
	_ =	strace $0xD0000000  }
0x3: {  	_ = 	snop  }
0x4: {  	_ = 	snop  }
0x5: {  	_ = 	snop  }
0x6: {  	_ = 	snop  }
0x7: {  	_ = 	snop  }
__scs_overlays_trampoline_lowered:
0x8: {  	[smem:$0x3FA9] =	sst s0  }
0x9: {  	[smem:$0x3FAA] =	sst s1  }
0xa: {  	[smem:$0x3FAB] =	sst s2  }
0xb: {  	[smem:$0x3FAC] =	sst s3  }
0xc: {  	[smem:$0x3FAD] =	sst s4  }
0xd: {  	[smem:$0x3FAE] =	sst s5  }
0xe: {  	[smem:$0x3FAF] =	sst s6  }
0xf: {  	[smem:$0x3FB0] =	sst s7  }
0x10: {  	[smem:$0x3FB1] =	sst s8  }
0x11: {  	[smem:$0x3FB2] =	sst s9;
	s0 =	simm.s32 @!p0 $0x0  }
0x12: {  	s1 =	sld [smem:$0x3F98];
	s0 =	simm.s32 @p0 $0x1  }
0x13: {  	[smem:$0x3FB3] =	sst s0;
	s0 =	simm.s32 @!p1 $0x0  }
0x14: {  	s2 =	sld [smem:$0x3F97];
	s0 =	simm.s32 @p1 $0x1  }
0x15: {  	[smem:$0x3FB4] =	sst s0;
	s0 =	simm.s32 @!p2 $0x0  }
0x16: {  	s3 =	sld [smem:$0x3FDB];
	s0 =	simm.s32 @p2 $0x1  }
0x17: {  	s4 =	simm.s32 $0x1BF5;
	[smem:$0x3FB6] =	sst s0  }
0x18: {  	s0 =	sld [smem:$0x3F99];
	_ =	swait.ge [sflag:s4], $0x0  }
0x19: {  	s7 =	sld [smem:$0x3F9A]  }
0x1a: {  	s8 =	sadd.s32 $0xFFFFE003, lr  }
0x1b: {  	s9 =	sadd.s32 $0xFFFFFEF7, lr;
	s5 =	simm.s32 $0xFFFFFFFF;
	p2 =	slt.u32 s8, $0xFFFFF086  }
0x1c: {  	p1 =	slt.u32 s9, $0xF7A;
	s5 =	simm.s32 @!p2 $0x0  }
0x1d: {  	s5 =	simm.s32 @p1 $0x1;
	p0 =	seq.s32 s7, s2  }
0x1e: {  	s7 =	smul.u32 @!p0 $0xF7A, s2;
	p2 =	seq.s32 @!p0 s5, $0x0  }
0x1f: {  	s9 =	smul.u32 $0xF7A, s1;
	s8 =	simm.s32 @!p0 $0x1BF5;
	p2 =	por !p2, p0  }
0x20: {  	[sflag:s8] =	ssyncset.s32 @!p0 $0xFFFFF086;
	s6 =	sadd.s32 @!p0 s3, s7;
	s7 =	simm.s32 @!p0 $0x108  }
0x21: {  	s3 =	sadd.s32 s3, s9;
	s6 =	sadd.s32 @!p0 $0x88, s6;
	s7 =	simm.s32 @p2 $0x1082  }
0x22: {  	[simem:s7], [sflag:s8] =	dma.local @!p0 [hbm:s6], $0xF7A  }
0x23: {  	s9 =	sor.u32 $0xD0000000, s2;
	s6 =	simm.s32 $0x108;
	_ =	swait.ge @!p0 [sflag:s8], $0x0  }
0x24: {  	s3 =	sadd.s32 $0x88, s3;
	s6 =	simm.s32 @!p1 $0x1082;
	[sflag:s4] =	ssyncset.s32 $0xFFFFF086  }
0x25: {  	[simem:s6], [sflag:s4] =	dma.local [hbm:s3], $0xF7A  }
0x26: {  	[smem:$0x3F9A] =	sst s1;
	(tag) =	ssettag s2;
	_ =	strace s9  }
0x27: {  	s1 =	sld [smem:$0x3FAA]  }
0x28: {  	s2 =	sld [smem:$0x3FAB]  }
0x29: {  	s4 =	sld [smem:$0x3FAD]  }
0x2a: {  	p0 =	seq.s32 s5, $0x0;
	s5 =	sld [smem:$0x3FAE]  }
0x2b: {  	s6 =	sld [smem:$0x3FAF]  }
0x2c: {  	s7 =	sld [smem:$0x3FB0]  }
0x2d: {  	s3 =	simm.s32 $0x108;
	s8 =	sld [smem:$0x3FB1]  }
0x2e: {  	s3 =	simm.s32 @!p0 $0x1082;
	s9 =	sld [smem:$0x3FB2]  }
0x2f: {  	lr =	sadd.s32 s0, s3;
	s0 =	sld [smem:$0x3FA9]  }
0x30: {  	s3 =	sld [smem:$0x3FAC]  }
0x31: {  	[smem:$0x3FB5] =	sst s10  }
0x32: {  	s10 =	sld [smem:$0x3FB3];
	_ =	sdelay $0x3  }
0x33: {  	p0 =	seq.s32 s10, $0x1;
	s10 =	sld [smem:$0x3FB5];
	_ =	sdelay $0x3  }
0x34: {  	[smem:$0x3FB5] =	sst s10  }
0x35: {  	s10 =	sld [smem:$0x3FB4];
	_ =	sdelay $0x3  }
0x36: {  	p1 =	seq.s32 s10, $0x1;
	s10 =	sld [smem:$0x3FB5];
	_ =	sdelay $0x3  }
0x37: {  	[smem:$0x3FB5] =	sst s10  }
0x38: {  	s10 =	sld [smem:$0x3FB6]  }
0x39: {  	_ = 	snop;
	(pc) =	sbr.ind lr, $3  }
0x3a: {  	_ = 	snop  }
0x3b: {  	_ = 	snop  }
0x3c: {  	p2 =	seq.s32 s10, $0x1;
	s10 =	sld [smem:$0x3FB5]  }
0x3d: {  	_ =	shalt  }
0x3e: {  	_ =	shalt  }
0x3f: {  	_ =	shalt  }
0x40: {  	_ =	shalt  }
0x41: {  	_ =	shalt  }
0x42: {  	_ =	shalt  }
0x43: {  	_ =	shalt  }
0x44: {  	_ =	shalt  }
0x45: {  	_ =	shalt  }
0x46: {  	_ =	shalt  }
0x47: {  	_ =	shalt  }
0x48: {  	_ =	shalt  }
0x49: {  	_ =	shalt  }
0x4a: {  	_ =	shalt  }
0x4b: {  	_ =	shalt  }
0x4c: {  	_ =	shalt  }
0x4d: {  	_ =	shalt  }
0x4e: {  	_ =	shalt  }
0x4f: {  	_ =	shalt  }
0x50: {  	_ =	shalt  }
0x51: {  	_ =	shalt  }
0x52: {  	_ =	shalt  }
0x53: {  	_ =	shalt  }
0x54: {  	_ =	shalt  }
0x55: {  	_ =	shalt  }
0x56: {  	_ =	shalt  }
0x57: {  	_ =	shalt  }
0x58: {  	_ =	shalt  }
0x59: {  	_ =	shalt  }
0x5a: {  	_ =	shalt  }
0x5b: {  	_ =	shalt  }
0x5c: {  	_ =	shalt  }
0x5d: {  	_ =	shalt  }
0x5e: {  	_ =	shalt  }
0x5f: {  	_ =	shalt  }
0x60: {  	_ =	shalt  }
0x61: {  	_ =	shalt  }
0x62: {  	_ =	shalt  }
0x63: {  	_ =	shalt  }
0x64: {  	_ =	shalt  }
0x65: {  	_ =	shalt  }
0x66: {  	_ =	shalt  }
0x67: {  	_ =	shalt  }
0x68: {  	_ =	shalt  }
0x69: {  	_ =	shalt  }
0x6a: {  	_ =	shalt  }
0x6b: {  	_ =	shalt  }
0x6c: {  	_ =	shalt  }
0x6d: {  	_ =	shalt  }
0x6e: {  	_ =	shalt  }
0x6f: {  	_ =	shalt  }
0x70: {  	_ =	shalt  }
0x71: {  	_ =	shalt  }
0x72: {  	_ =	shalt  }
0x73: {  	_ =	shalt  }
0x74: {  	_ =	shalt  }
0x75: {  	_ =	shalt  }
0x76: {  	_ =	shalt  }
0x77: {  	_ =	shalt  }
0x78: {  	_ =	shalt  }
0x79: {  	_ =	shalt  }
0x7a: {  	_ =	shalt  }
0x7b: {  	_ =	shalt  }
0x7c: {  	_ =	shalt  }
0x7d: {  	_ =	shalt  }
0x7e: {  	_ =	shalt  }
0x7f: {  	_ =	shalt  }
0x80: {  	_ =	shalt  }
0x81: {  	_ =	shalt  }
0x82: {  	_ =	shalt  }
0x83: {  	_ =	shalt  }
0x84: {  	_ =	shalt  }
0x85: {  	_ =	shalt  }
0x86: {  	_ =	shalt  }
0x87: {  	_ =	shalt  }
.Lfunc_end0:
.L_simem_size_0:
called_computation_lowered:
.L_overlay_start_0:
0x88: {  	s2 =	sld [smem:$0x3FD9]  }
0x89: {  	s3 =	sld [smem:$0x3FFE];
	_ =	sdelay $0x1  }
0x8a: {  	s1 =	srdreg.scid  }
0x8b: {  	s0 =	sand.u32 $0x1, s1  }
0x8c: {  	s14 =	sshll.u32 s0, $0xA;
	s2 =	sadd.s32 s3, s2  }
0x8d: {  	s2 =	sadd.s32 s2, s14  }
0x8e: {  	[smem:$0x3FC1] =	sst s2  }
0x8f: {  	_ = 	snop  }
0x90: {  	s2 =	sld [smem:$0x3FD0];
	_ =	sdelay $0x2  }
0x91: {  	s15 =	simm.s32 $0xA;
	s4 =	simm.s32 $0x10  }
0x92: {  	[smem:s4], [sflag:s15] =	dma.local [hbm:s2], $0x1  }
0x93: {  	_ =	swait.eq [sflag:s15], $0x1  }
0x94: {  	[sflag:s15] =	ssyncset.done $0x0  }
0x95: {  	s16 =	sld [smem:$0x10];
	[sflag:s15] =	ssyncadd.s32 $0xFFFFFFFF  }
0x96: {  	s17 =	sld [smem:$0x11];
	(tm) =	ssettm $0x1  }
0x97: {  	s18 =	sld [smem:$0x3FFB];
	_ =	sdelay $0x3  }
0x98: {  	_ =	strace s18  }
0x99: {  	s4 =	sld [smem:$0x3FFC];
	_ =	sdelay $0x3  }
0x9a: {  	_ =	strace s4  }
0x9b: {  	s4 =	sld [smem:$0x3FFD];
	_ =	sdelay $0x3  }
0x9c: {  	_ =	strace s4  }
0x9d: {  	_ =	strace $0x8FFFFFFF  }
0x9e: {  	s19 =	sld [smem:$0x3FDB];
	_ =	sdelay $0x1  }
0x9f: {  	s5 =	simm.s32 $_scs_section_size  }
0xa0: {  	s6 =	simm.s32 $_size__tile_overlayer_lowered;
	s7 =	simm.s32 $_tile_overlayer_lowered  }
0xa1: {  	s22 =	simm.s32 $0x1BFF;
	s21 =	sshll.u32 s7, $0x1;
	s4 =	sadd.s32 s5, s19  }
0xa2: {  	s8 =	simm.s32 $0x0;
	s20 =	sshll.u32 s6, $0x1;
	s6 =	sadd.s32 s21, s4  }
0xa3: {  	[timem:s8], [sflag:s22] =	dma.local [hbm:s6], s20  }
0xa4: {  	_ =	swait.ge [sflag:s22], s20  }
0xa5: {  	s5 =	ssub.s32 $0x0, s20;
	[sflag:s22] =	ssyncset.done $0x0  }
0xa6: {  	[sflag:s22] =	ssyncadd.s32 s5;
	_ =	sdelay $0x1  }
0xa7: {  	s23 =	simm.s32 $0x1B8B  }
0xa8: {  	_ =	swait.ge [sflag:s23], $0x1  }
0xa9: {  	[sflag:s23] =	ssyncset.done $0x0  }
0xaa: {  	s25 =	simm.s32 $0x1B8E;
	s24 =	sld [smem:$0x3FFE];
	[sflag:s23] =	ssyncadd.s32 $0xFFFFFFFF  }
0xab: {  	s26 =	simm.s32 $execute0_lowered;
	[smem:$0x3FD2] =	sst s25  }
0xac: {  	s6 =	sshll.u32 s26, $0x1;
	_ =	strace $0x80000046;
	[dreg:$0x1] =	wrdreg $0xFFFFFFFF  }
0xad: {  	s28 =	simm.s32 $_size_execute0_lowered;
	s4 =	sadd.s32 s4, s6;
	[dreg:$0x0] =	wrdreg $0x0  }
0xae: {  	s6 =	sshll.u32 s28, $0x1;
	[dreg:$0x2] =	wrdreg s4  }
0xaf: {  	[dreg:$0x3] =	wrdreg s6  }
0xb0: {  	[dreg:$0x4] =	wrdreg $0xC0  }
0xb1: {  	_ =	task [dreg:s8], $0x5FFFF  }
0xb2: {  	[dreg:$0x1] =	wrdreg $0xFFFFFFFF  }
0xb3: {  	[dreg:$0x0] =	wrdreg $0x60  }
0xb4: {  	[dreg:$0x2] =	wrdreg s24  }
0xb5: {  	[dreg:$0x3] =	wrdreg s16  }
0xb6: {  	[dreg:$0x4] =	wrdreg s17  }
0xb7: {  	[dreg:$0x5] =	wrdreg $0x70B80  }
0xb8: {  	[dreg:$0x6] =	wrdreg $0x9  }
0xb9: {  	_ =	task.clear_ibuf [dreg:s8], $0x7FFFF;
	_ =	strace $0x90000046  }
0xba: {  	s29 =	simm.s32 $0x9;
	_ =	strace $0x80000048  }
0xbb: {  	_ =	swait.ge [sflag:s29], $0x1  }
0xbc: {  	[sflag:s29] =	ssyncadd.s32 $0xFFFFFFFF  }
0xbd: {  	_ =	strace $0x90000048  }
0xbe: {  	_ =	sfence  }
0xbf: {  	s30 =	sld [smem:$0x0];
	_ =	sdelay $0x2  }
0xc0: {  	s31 =	sshll.u32 s1, $0xD;
	s1 =	sshrl.u32 s1, $0x2  }
0xc1: {  	s3 =	sand.u32 $0x4000, s31;
	s1 =	sadd.s32 s1, s30  }
0xc2: {  	s0 =	sor.u32 s3, s0;
	s1 =	sshll.u32 s1, $0x11  }
0xc3: {  	s0 =	sor.u32 s1, s0  }
0xc4: {  	s0 =	sadd.s32 $0x8F2B, s0  }
0xc5: {  	[sflag:s0] =	ssyncadd.remote.s32 $0x1  }
0xc6: {  	_ =	sfence.sel $0xFFFF  }
0xc7: {  	[dreg:$0x0] =	wrdreg $0xFFFFFFFF;
	(pc) =	sbr.abs _section_cstart, $3  }
0xc8: {  	[dreg:$0x1] =	wrdreg $0xFFFFFFFF  }
0xc9: {  	_ =	task.clear_ibuf [dreg:s8], $0x2FFFF;
	_ =	strace $0x9FFFFFFF  }
0xca: {  	(tm) =	ssettm $0x7FFFFFFF  }
0xcb: {  	_ =	shalt  }
tec
execute0_lowered:
.L_overlay_start_1:
0x0: {  	(tag) =	ssettag $0x1  }
0x1: {  	s5 =	rddreg [dreg:$0x0]  }
0x2: {  	s1 =	rddreg [dreg:$0x1]  }
0x3: {  	s0 =	srdreg.scid;
	s8 =	rddreg [dreg:$0x2]  }
0x4: {  	s3 =	rddreg [dreg:$0x3];
	s4 =	simm.s32 $0x0;
	s12 =	simm.s32 $0x6400  }
0x5: {  	s13 =	simm.s32 $0x80;
	s6 =	sand.u32 $0x1, s0;
	s0 =	stileid.u32  }
0x6: {  	s14 =	simm.s32 $0x0;
	s2 =	sshll.u32 s6, $0x4;
	s9 =	smul.u32 $0xC38, s0  }
0x7: {  	[smem:$0x7FF] =	sst s4;
	s10 =	smul.u32 $0xC380, s6;
	s7 =	sor.u32 s0, s2  }
0x8: {  	s6 =	ssub.s32 $0x2, s6;
	s2 =	rddreg [dreg:$0x4];
	s7 =	smul.u32 $0xC80, s7  }
0x9: {  	_ =	strace $0x80000047;
	s31 =	sshrl.u32 s6, $0x1;
	s10 =	sadd.s32 s9, s10  }
0xa: {  	s11 =	sshrl.u32 s9, $0x3;
	s10 =	sshrl.u32 s10, $0x3;
	s7 =	sadd.s32 s7, s5  }
0xb: {  	s5 =	sadd.s32 s11, s5;
	s11 =	ssub.s32 s6, s31;
	s6 =	sadd.s32 s9, s3  }
0xc: {  	s8 =	sadd.s32 s8, s10;
	s10 =	simm.s32 $0x6480;
	s5 =	sadd.s32 $0x33E00, s5  }
0xd: {  	s7 =	sadd.s32 $0x1E00, s7;
	s9 =	smax.u32 s11, $0x1;
	s11 =	simm.s32 $0x1  }
.LBB2_1:
0xe: {  	[tilespmem:s10], [sflag:$0x1] =	stream.linear.gather [hbm4b:s5+s4], $0xC38, $0x38;
	[tilespmem:$0x7CF0] =	vst v63  }
0xf: {  	_ =	swait.ge [sflag:s11], $0xC38  }
0x10: {  	[sflag:s11] =	ssyncset.done $0x0  }
0x11: {  	[sflag:s11] =	ssyncadd.s32 $0xFFFFF3C8  }
0x12: {  	[spmem:s6] =	stream.linear.scatter [tilespmem:s10], [sflag:$0x1], $0xC38, $0x38;
	[tilespmem:$0x7CF0] =	vst v63  }
0x13: {  	_ =	swait.ge [sflag:s11], $0xC38  }
0x14: {  	[sflag:s11] =	ssyncset.done $0x0  }
0x15: {  	[sflag:s11] =	ssyncadd.s32 $0xFFFFF3C8  }
0x16: {  	[tilespmem:s12], [sflag:$0x1] =	stream.linear.gather [hbm4b:s1+s4], $0x80, $0x38;
	[tilespmem:$0x7CF0] =	vst v63  }
0x17: {  	_ =	swait.ge [sflag:s11], $0x80  }
0x18: {  	[sflag:s11] =	ssyncset.done $0x0  }
0x19: {  	[sflag:s11] =	ssyncadd.s32 $0xFFFFFF80  }
0x1a: {  	[tilespmem:s4], [sflag:$0x1] =	stream.linear.gather [hbm4b:s7+s4], $0x6400, $0x38;
	[tilespmem:$0x7CF0] =	vst v63  }
0x1b: {  	_ =	swait.ge [sflag:s11], $0x6400  }
0x1c: {  	[sflag:s11] =	ssyncset.done $0x0  }
0x1d: {  	[sflag:s11] =	ssyncadd.s32 $0xFFFF9C00  }
0x1e: {  	s15 =	simm.s32 $0x0;
	[bflag:$0x0] =	sbarrier.arrive $0xFFFF  }
0x1f: {  	[spmem:s3] =	stream.indirect.scatter.add.f32 [tilespmem:s12], [sflag:$0x1], $0x1, s15, s13, $0xb8;
	[tilespmem:$0x7CF0] =	vst v63  }
0x20: {  	_ =	swait.ge [sflag:s11], $0x80  }
0x21: {  	s15 =	simm.s32 $0x200;
	[sflag:s11] =	ssyncset.done $0x0  }
.LBB2_2:
0x22: {  	s16 =	sshra.s32 s15, $0x2;
	[sflag:s11] =	ssyncadd.s32 $0xFFFFFF80;
	p0 =	sne.s32 s15, $0x18E00  }
0x23: {  	[spmem:s3] =	stream.indirect.scatter.add.f32 [tilespmem:s12], [sflag:$0x1], $0x1, s16, s13, $0xb8;
	[tilespmem:$0x7CF0] =	vst v63  }
.Ltmp0:
0x24: {  	_ = 	snop;
	(pc) =	sbr.rel @p0 .LBB2_2-.Ltmp0, $4  }
0x25: {  	_ = 	snop  }
0x26: {  	s15 =	sadd.s32 $0x200, s15  }
0x27: {  	_ =	swait.ge [sflag:s11], $0x80  }
0x28: {  	[sflag:s11] =	ssyncset.done $0x0  }
0x29: {  	[sflag:s11] =	ssyncadd.s32 $0xFFFFFF80  }
0x2a: {  	[bflag:$0x0] =	sbarrier.arrive $0xFFFF  }
0x2b: {  	[tilespmem:s10], [sflag:$0x1] =	stream.linear.gather [spmem:s6], $0xC38, $0x38;
	[tilespmem:$0x7CF0] =	vst v63  }
0x2c: {  	s14 =	sadd.s32 $0x1, s14;
	_ =	swait.ge [sflag:s11], $0xC38  }
0x2d: {  	p0 =	sne.s32 s14, s9;
	[sflag:s11] =	ssyncset.done $0x0  }
.Ltmp1:
0x2e: {  	[sflag:s11] =	ssyncadd.s32 $0xFFFFF3C8;
	(pc) =	sbr.rel @p0 .LBB2_1-.Ltmp1, $4  }
0x2f: {  	[hbm4b:s8+s4] =	stream.linear.scatter [tilespmem:s10], [sflag:$0x1], $0xC38, $0x38;
	[tilespmem:$0x7CF0] =	vst v63  }
0x30: {  	_ =	swait.ge [sflag:s11], $0xC38  }
0x31: {  	[sflag:s11] =	ssyncset.done $0x0  }
0x32: {  	[sflag:s11] =	ssyncadd.s32 $0xFFFFF3C8  }
0x33: {  	_ =	sfence.sel $0x180000  }
0x34: {  	[bflag:$0x0] =	sbarrier.arrive $0xFFFF  }
0x35: {  	p0 =	sne.s32 s0, $0x0;
	_ =	strace $0x90000047  }
0x36: {  	s0 =	sadd.s32 @!p0 $0x100000, s2;
	[bflag:$0x2] =	sbarrier.arrive $0xFFFF  }
0x37: {  	[sflag:s0] =	ssyncadd.tile.s32 @!p0 $0x1;
	_ =	shalt  }
.Lfunc_end2:
_tile_overlayer_lowered:
.L_overlay_start_2:
0x38: {  	(tag) =	ssettag $0x2  }
0x39: {  	s0 =	rddreg [dreg:$0x0];
	s2 =	stileid.u32  }
0x3a: {  	s1 =	rddreg [dreg:$0x1];
	p0 =	sne.s32 s2, $0x0  }
0x3b: {  	s3 =	rddreg [dreg:$0x2];
	[bflag:$0x3] =	sbarrier.arrive $0xFFFF;
	s2 =	simm.s32 @!p0 $0x1C01  }
0x3c: {  	[timem:s3], [sflag:s2] =	dma.local @!p0 [hbm:s0], s1  }
0x3d: {  	s0 =	simm.s32 @!p0 $0x1  }
0x3e: {  	_ =	swait.ge @!p0 [sflag:s0], s1  }
0x3f: {  	s1 =	ssub.s32 @!p0 $0x0, s1;
	[sflag:s0] =	ssyncset.done @!p0 $0x0  }
0x40: {  	[sflag:s0] =	ssyncadd.s32 @!p0 s1  }
0x41: {  	[bflag:$0x3] =	sbarrier.arrive $0xFFFF  }
0x42: {  	_ =	shalt  }

</sc_bundles>
